<compile_context>
chip_gen: v7x
topology: tpu7x:2x2x1
jax: 0.10.2.dev20260603
libtpu: 0.0.44.dev20260713+nightly
codegen_flags: <defaults>
</compile_context>

<pallas_src>
import functools

import jax
import jax.numpy as jnp
from jax import lax
from jax.experimental import pallas as pl
from jax.experimental.pallas import tpu as pltpu
from jax.experimental.pallas import tpu_sc as plsc

_VOCAB = 65536
_MD = 512
_H = 256
_NTOK = 16384 * 20

_RB = 2048

_NC, _NS, _LANES = 2, 16, 16
_NW = _NC * _NS
_BPW = _NTOK // _NW
_L = 20
_CH = 32
_NCH = _BPW // _CH
_NBUF = 5
_GD = 2


def _table_body(emb_ref, taskw_ref, w1at_ref, w1bt_ref, b1_ref, w2t_ref,
                b2_ref, out_ref):
    g = jnp.dot(emb_ref[...], w1at_ref[...],
                preferred_element_type=jnp.float32)
    hb = jnp.dot(taskw_ref[...], w1bt_ref[...],
                 preferred_element_type=jnp.float32) + b1_ref[...]
    inv_sqrt2 = 0.7071067811865476
    for li in range(2):
        a = g + hb[li, :][None, :]
        h = 0.5 * a * (1.0 + lax.erf(a * inv_sqrt2))
        out_ref[li] = jnp.dot(h, w2t_ref[...],
                              preferred_element_type=jnp.float32) + b2_ref[...]


def _build_table(emb_w, task_w, W1, b1, W2, b2):
    w1at = W1[:, :_MD].T
    w1bt = W1[:, _MD:].T
    w2t = W2.T
    b1r = b1.reshape(1, _H)
    b2r = b2.reshape(1, _MD)
    return pl.pallas_call(
        _table_body,
        grid=(_VOCAB // _RB,),
        in_specs=[
            pl.BlockSpec((_RB, _MD), lambda i: (i, 0)),
            pl.BlockSpec((2, _MD), lambda i: (0, 0)),
            pl.BlockSpec((_MD, _H), lambda i: (0, 0)),
            pl.BlockSpec((_MD, _H), lambda i: (0, 0)),
            pl.BlockSpec((1, _H), lambda i: (0, 0)),
            pl.BlockSpec((_H, _MD), lambda i: (0, 0)),
            pl.BlockSpec((1, _MD), lambda i: (0, 0)),
        ],
        out_specs=pl.BlockSpec((2, _RB, _MD), lambda i: (0, i, 0)),
        out_shape=jax.ShapeDtypeStruct((2, _VOCAB, _MD), jnp.float32),
    )(emb_w, task_w, w1at, w1bt, b1r, w2t, b2r)


def _sc_gather(table, t_flat, l_flat):
    mesh = plsc.VectorSubcoreMesh(core_axis_name="c", subcore_axis_name="s")

    @functools.partial(
        pl.kernel,
        out_type=jax.ShapeDtypeStruct((_NTOK, _MD), jnp.float32),
        mesh=mesh,
        scratch_types=[
            pltpu.VMEM((_BPW,), jnp.int32),
            pltpu.VMEM((_BPW,), jnp.int32),
            pltpu.VMEM((_NBUF, _CH, _MD), jnp.float32),
        ] + [pltpu.SemaphoreType.DMA] * (2 * _NBUF),
    )
    def k(table_hbm, t_hbm, l_hbm, out_hbm, idx_v, l_v, rows_v, *sems):
        gsems, wsems = sems[:_NBUF], sems[_NBUF:]
        wid = lax.axis_index("s") * _NC + lax.axis_index("c")
        base = pl.multiple_of(wid * _BPW, _BPW)
        pltpu.sync_copy(t_hbm.at[pl.ds(base, _BPW)], idx_v)
        pltpu.sync_copy(l_hbm.at[pl.ds(base, _BPW)], l_v)

        def ibody(i, carry):
            off = pl.multiple_of(i * _LANES, _LANES)
            idx_v[pl.ds(off, _LANES)] = (
                idx_v[pl.ds(off, _LANES)] + l_v[pl.ds(off, _LANES)] * _VOCAB)
            return carry
        lax.fori_loop(0, _BPW // _LANES, ibody, 0)

        def start_gather(c, s):
            pltpu.async_copy(
                table_hbm.at[idx_v.at[pl.ds(c * _CH, _CH)]],
                rows_v.at[s], gsems[s])

        def drain_gather(s):
            pltpu.make_async_copy(
                table_hbm.at[pl.ds(0, _CH)], rows_v.at[s], gsems[s]).wait()

        def start_write(c, s):
            pltpu.async_copy(rows_v.at[s],
                             out_hbm.at[pl.ds(base + c * _CH, _CH)],
                             wsems[s])

        def drain_write(s):
            pltpu.make_async_copy(rows_v.at[s],
                                  out_hbm.at[pl.ds(base, _CH)],
                                  wsems[s]).wait()

        for c in range(_GD):
            start_gather(c, c % _NBUF)

        def chunk_group(g, carry):
            for s in range(_NBUF):
                c = g * _NBUF + s
                s2 = (s + _GD) % _NBUF

                @pl.when(c + _GD >= _NBUF)
                def _():
                    drain_write(s2)

                @pl.when(c + _GD < _NCH)
                def _():
                    start_gather(c + _GD, s2)
                drain_gather(s)
                start_write(c, s)
            return carry
        lax.fori_loop(0, _NCH // _NBUF, chunk_group, 0)

        for i in range(_GD, _NBUF):
            drain_write((_NCH - _NBUF + i) % _NBUF)

    return k(table, t_flat, l_flat)


def kernel(t, l, emb_w, task_w, W1, b1, W2, b2):
    table = _build_table(emb_w, task_w, W1, b1, W2, b2)
    table_flat = table.reshape(2 * _VOCAB, _MD)
    tp = t.T.reshape(_NTOK).astype(jnp.int32)
    lp = l.T.reshape(_NTOK).astype(jnp.int32)
    out_sm = _sc_gather(table_flat, tp, lp)
    return out_sm.reshape(_L, _NTOK // _L, _MD).transpose(1, 0, 2)

# --- scband reference (transcript-rebuilt; emitter-appended) ---
"""Pipeline reference for scband-autoencoder-24318104830310 (READ-ONLY COPY).

The authoritative reference and input builder live on the scoring server;
editing this copy changes nothing except your own understanding.
"""

import jax, jax.numpy as jnp
import numpy as np

VOCAB = 65536
MD = 512
B, L = 16384, 20

def setup_inputs(seed: int = 0) -> dict:
    key = jax.random.key(seed)
    ks = jax.random.split(key, 8)
    t = jax.random.randint(ks[0], (B, L), 0, VOCAB, dtype=jnp.int64) if jax.config.jax_enable_x64 else jax.random.randint(ks[0], (B, L), 0, VOCAB, dtype=jnp.int32)
    l = jax.random.randint(ks[1], (B, L), 0, 2, dtype=t.dtype)
    emb_w = jax.random.normal(ks[2], (VOCAB, MD), dtype=jnp.float32) * 0.02
    task_w = jax.random.normal(ks[3], (2, MD), dtype=jnp.float32) * 0.02
    W1 = jax.random.normal(ks[4], (MD // 2, MD * 2), dtype=jnp.float32) * 0.02
    b1 = jnp.zeros((MD // 2,), dtype=jnp.float32)
    W2 = jax.random.normal(ks[5], (MD, MD // 2), dtype=jnp.float32) * 0.02
    b2 = jnp.zeros((MD,), dtype=jnp.float32)
    return {"t": t, "l": l, "emb_w": emb_w, "task_w": task_w, "W1": W1, "b1": b1, "W2": W2, "b2": b2}

def reference(t, l, emb_w, task_w, W1, b1, W2, b2):
    # content_emb = self.emb.weight[t]  (gather from [65536, MD] table)
    content_emb = jnp.take(emb_w, t, axis=0)
    # task_emb = self.task_emb.weight[l]  (gather from [2, MD] table)
    task_emb = jnp.take(task_w, l, axis=0)
    x = jnp.concatenate([content_emb, task_emb], axis=-1)
    # ffn: Linear(2*MD, MD//2) -> GELU(exact) -> Linear(MD//2, MD)
    h = jnp.dot(x, W1.T) + b1
    h = jax.nn.gelu(h, approximate=False)
    o = jnp.dot(h, W2.T) + b2
    return o

if __name__ == "__main__":
    import jax
    _d = setup_inputs()
    print(jax.jit(kernel)(*tuple(_d.values())))

</pallas_src>

<mosaic_0001>
#map = affine_map<(d0, d1) -> (0, 0)>
#map1 = affine_map<(d0, d1) -> (0)>
module attributes {stable_mosaic.version = 14 : i64} {
  func.func @k(%arg0: i32, %arg1: i32, %arg2: memref<131072x512xf32, #tpu.memory_space<hbm>>, %arg3: memref<327680xi32, #tpu.memory_space<hbm>>, %arg4: memref<327680xi32, #tpu.memory_space<hbm>>, %arg5: memref<327680x512xf32, #tpu.memory_space<hbm>>, %arg6: memref<10240xi32, #tpu.memory_space<vmem>>, %arg7: memref<10240xi32, #tpu.memory_space<vmem>>, %arg8: memref<5x32x512xf32, #tpu.memory_space<vmem>>, %arg9: memref<!tpu.dma_semaphore, #tpu.memory_space<semaphore_mem>>, %arg10: memref<!tpu.dma_semaphore, #tpu.memory_space<semaphore_mem>>, %arg11: memref<!tpu.dma_semaphore, #tpu.memory_space<semaphore_mem>>, %arg12: memref<!tpu.dma_semaphore, #tpu.memory_space<semaphore_mem>>, %arg13: memref<!tpu.dma_semaphore, #tpu.memory_space<semaphore_mem>>, %arg14: memref<!tpu.dma_semaphore, #tpu.memory_space<semaphore_mem>>, %arg15: memref<!tpu.dma_semaphore, #tpu.memory_space<semaphore_mem>>, %arg16: memref<!tpu.dma_semaphore, #tpu.memory_space<semaphore_mem>>, %arg17: memref<!tpu.dma_semaphore, #tpu.memory_space<semaphore_mem>>, %arg18: memref<!tpu.dma_semaphore, #tpu.memory_space<semaphore_mem>>) attributes {dimension_semantics = [#tpu.dimension_semantics<core_parallel>, #tpu.dimension_semantics<subcore_parallel>], iteration_bounds = array<i64: 2, 16>, scalar_prefetch = 0 : i64, scratch_operands = 13 : i64, tpu.core_type = #tpu.core_type<sc_vector_subcore>, window_params = [{transform_indices = #map}, {transform_indices = #map1}, {transform_indices = #map1}, {transform_indices = #map}]} {
    %mul3A = arith.constant 2 : i32
    %mul3A_0 = arith.muli %arg1, %mul3A : i32
    %add3A = arith.addi %mul3A_0, %arg0 : i32
    %mul3A_1 = arith.constant 10240 : i32
    %mul3A_2 = arith.muli %add3A, %mul3A_1 : i32
    %multiple_of3A = tpu.assume_multiple %mul3A_2, 10240 : i32
    "tpu.region"() ({
      %run_scoped3A = tpu.sem_alloc : memref<!tpu.dma_semaphore, #tpu.memory_space<semaphore_mem>>
      %dma_start3A_71 = tpu.memref_slice %arg3[%multiple_of3A] : memref<327680xi32, #tpu.memory_space<hbm>> -> memref<10240xi32, #tpu.memory_space<hbm>>
      %dma_start3A_72 = tpu.memref_slice %arg3[%multiple_of3A] : memref<327680xi32, #tpu.memory_space<hbm>> -> memref<10240xi32, #tpu.memory_space<hbm>>
      tpu.enqueue_dma source(%dma_start3A_72 : memref<10240xi32, #tpu.memory_space<hbm>>) target(%arg6 : memref<10240xi32, #tpu.memory_space<vmem>>) target_semaphore(%run_scoped3A : memref<!tpu.dma_semaphore, #tpu.memory_space<semaphore_mem>>)
      %dma_wait3A_73 = tpu.memref_slice %arg3[%multiple_of3A] : memref<327680xi32, #tpu.memory_space<hbm>> -> memref<10240xi32, #tpu.memory_space<hbm>>
      %dma_wait3A_74 = tpu.memref_slice %arg3[%multiple_of3A] : memref<327680xi32, #tpu.memory_space<hbm>> -> memref<10240xi32, #tpu.memory_space<hbm>>
      tpu.wait_dma2 semaphore(%run_scoped3A : memref<!tpu.dma_semaphore, #tpu.memory_space<semaphore_mem>>) src(%dma_wait3A_74 : memref<10240xi32, #tpu.memory_space<hbm>>) dst(%arg6 : memref<10240xi32, #tpu.memory_space<vmem>>)
      tpu.yield
    }) : () -> ()
    "tpu.region"() ({
      %run_scoped3A = tpu.sem_alloc : memref<!tpu.dma_semaphore, #tpu.memory_space<semaphore_mem>>
      %dma_start3A_71 = tpu.memref_slice %arg4[%multiple_of3A] : memref<327680xi32, #tpu.memory_space<hbm>> -> memref<10240xi32, #tpu.memory_space<hbm>>
      %dma_start3A_72 = tpu.memref_slice %arg4[%multiple_of3A] : memref<327680xi32, #tpu.memory_space<hbm>> -> memref<10240xi32, #tpu.memory_space<hbm>>
      tpu.enqueue_dma source(%dma_start3A_72 : memref<10240xi32, #tpu.memory_space<hbm>>) target(%arg7 : memref<10240xi32, #tpu.memory_space<vmem>>) target_semaphore(%run_scoped3A : memref<!tpu.dma_semaphore, #tpu.memory_space<semaphore_mem>>)
      %dma_wait3A_73 = tpu.memref_slice %arg4[%multiple_of3A] : memref<327680xi32, #tpu.memory_space<hbm>> -> memref<10240xi32, #tpu.memory_space<hbm>>
      %dma_wait3A_74 = tpu.memref_slice %arg4[%multiple_of3A] : memref<327680xi32, #tpu.memory_space<hbm>> -> memref<10240xi32, #tpu.memory_space<hbm>>
      tpu.wait_dma2 semaphore(%run_scoped3A : memref<!tpu.dma_semaphore, #tpu.memory_space<semaphore_mem>>) src(%dma_wait3A_74 : memref<10240xi32, #tpu.memory_space<hbm>>) dst(%arg7 : memref<10240xi32, #tpu.memory_space<vmem>>)
      tpu.yield
    }) : () -> ()
    %scan3A = arith.constant 0 : i32
    %scan3A_3 = arith.constant 0 : i32
    %scan3A_4 = arith.constant 640 : i32
    %scan3A_5 = arith.addi %scan3A_3, %scan3A_4 : i32
    %scan3A_6 = arith.constant 1 : i32
    scf.for %scan3A_71 = %scan3A_3 to %scan3A_5 step %scan3A_6  : i32 {
      %mul3A_72 = arith.constant 16 : i32
      %mul3A_73 = arith.muli %scan3A_71, %mul3A_72 : i32
      %multiple_of3A_74 = tpu.assume_multiple %mul3A_73, 16 : i32
      %get3A = arith.index_cast %multiple_of3A_74 : i32 to index
      %get3A_75 = tpu.vector_load %arg6[%get3A] {strides = array<i32>} : memref<10240xi32, #tpu.memory_space<vmem>>, vector<16xi32>,
      %get3A_76 = vector.shape_cast %get3A_75 : vector<16xi32> to vector<16xi32>
      %get3A_77 = arith.index_cast %multiple_of3A_74 : i32 to index
      %get3A_78 = tpu.vector_load %arg7[%get3A_77] {strides = array<i32>} : memref<10240xi32, #tpu.memory_space<vmem>>, vector<16xi32>,
      %get3A_79 = vector.shape_cast %get3A_78 : vector<16xi32> to vector<16xi32>
      %mul3A_80 = arith.constant 65536 : i32
      %mul3A_81 = vector.broadcast %mul3A_80 : i32 to vector<16xi32>
      %mul3A_82 = arith.muli %get3A_79, %mul3A_81 : vector<16xi32>
      %add3A_83 = arith.addi %get3A_76, %mul3A_82 : vector<16xi32>
      %swap3A = arith.index_cast %multiple_of3A_74 : i32 to index
      %swap3A_84 = tpu.vector_load %arg6[%swap3A] {strides = array<i32>} : memref<10240xi32, #tpu.memory_space<vmem>>, vector<16xi32>,
      %swap3A_85 = vector.shape_cast %swap3A_84 : vector<16xi32> to vector<16xi32>
      %swap3A_86 = vector.shape_cast %add3A_83 : vector<16xi32> to vector<16xi32>
      tpu.vector_store %arg6[%swap3A], %swap3A_86 {strides = array<i32>} : memref<10240xi32, #tpu.memory_space<vmem>>, vector<16xi32>,
    }
    %scan3A_7 = arith.constant 640 : i32
    %dma_start3A = arith.constant 0 : i32
    %dma_start3A_8 = arith.constant 0 : i32
    %dma_start3A_9 = arith.constant 0 : i32
    %dma_start3A_10 = tpu.memref_slice %arg8[%dma_start3A, %dma_start3A_8, %dma_start3A_9] : memref<5x32x512xf32, #tpu.memory_space<vmem>> -> memref<1x32x512xf32, #tpu.memory_space<vmem>>
    %dma_start3A_11 = tpu.memref_squeeze %dma_start3A_10 : memref<1x32x512xf32, #tpu.memory_space<vmem>> -> memref<32x512xf32, #tpu.memory_space<vmem>>
    %dma_start3A_12 = arith.constant 0 : i32
    %dma_start3A_13 = tpu.memref_slice %arg6[%dma_start3A_12] : memref<10240xi32, #tpu.memory_space<vmem>> -> memref<32xi32, #tpu.memory_space<vmem>>
    %dma_start3A_14 = arith.constant 0 : i32
    %dma_start3A_15 = arith.constant 0 : i32
    %dma_start3A_16 = tpu.memref_slice %arg2[%dma_start3A_14, %dma_start3A_15] : memref<131072x512xf32, #tpu.memory_space<hbm>> -> memref<131072x512xf32, #tpu.memory_space<hbm>>
    tpu.enqueue_indirect_dma source(%dma_start3A_16 : memref<131072x512xf32, #tpu.memory_space<hbm>>) target(%dma_start3A_11 : memref<32x512xf32, #tpu.memory_space<vmem>>) offsets(%dma_start3A_13 : memref<32xi32, #tpu.memory_space<vmem>>) semaphore(%arg9 : memref<!tpu.dma_semaphore, #tpu.memory_space<semaphore_mem>>)
    %dma_start3A_17 = arith.constant 1 : i32
    %dma_start3A_18 = arith.constant 0 : i32
    %dma_start3A_19 = arith.constant 0 : i32
    %dma_start3A_20 = tpu.memref_slice %arg8[%dma_start3A_17, %dma_start3A_18, %dma_start3A_19] : memref<5x32x512xf32, #tpu.memory_space<vmem>> -> memref<1x32x512xf32, #tpu.memory_space<vmem>>
    %dma_start3A_21 = tpu.memref_squeeze %dma_start3A_20 : memref<1x32x512xf32, #tpu.memory_space<vmem>> -> memref<32x512xf32, #tpu.memory_space<vmem>>
    %dma_start3A_22 = arith.constant 32 : i32
    %dma_start3A_23 = tpu.memref_slice %arg6[%dma_start3A_22] : memref<10240xi32, #tpu.memory_space<vmem>> -> memref<32xi32, #tpu.memory_space<vmem>>
    %dma_start3A_24 = arith.constant 0 : i32
    %dma_start3A_25 = arith.constant 0 : i32
    %dma_start3A_26 = tpu.memref_slice %arg2[%dma_start3A_24, %dma_start3A_25] : memref<131072x512xf32, #tpu.memory_space<hbm>> -> memref<131072x512xf32, #tpu.memory_space<hbm>>
    tpu.enqueue_indirect_dma source(%dma_start3A_26 : memref<131072x512xf32, #tpu.memory_space<hbm>>) target(%dma_start3A_21 : memref<32x512xf32, #tpu.memory_space<vmem>>) offsets(%dma_start3A_23 : memref<32xi32, #tpu.memory_space<vmem>>) semaphore(%arg10 : memref<!tpu.dma_semaphore, #tpu.memory_space<semaphore_mem>>)
    %scan3A_27 = arith.constant 0 : i32
    %scan3A_28 = arith.constant 0 : i32
    %scan3A_29 = arith.constant 64 : i32
    %scan3A_30 = arith.addi %scan3A_28, %scan3A_29 : i32
    %scan3A_31 = arith.constant 1 : i32
    scf.for %scan3A_71 = %scan3A_28 to %scan3A_30 step %scan3A_31  : i32 {
      %mul3A_72 = arith.constant 5 : i32
      %mul3A_73 = arith.muli %scan3A_71, %mul3A_72 : i32
      %add3A_74 = arith.constant 0 : i32
      %add3A_75 = arith.addi %mul3A_73, %add3A_74 : i32
      %add3A_76 = arith.constant 2 : i32
      %add3A_77 = arith.addi %add3A_75, %add3A_76 : i32
      %ge3A = arith.constant 5 : i32
      %ge3A_78 = arith.cmpi sge, %add3A_77, %ge3A : i32
      %convert_element_type3A = arith.extui %ge3A_78 : i1 to i32
      %cond3A = arith.constant 0 : i32
      %cond3A_79 = arith.cmpi ne, %convert_element_type3A, %cond3A : i32
      scf.if %cond3A_79 {
        %dma_wait3A_313 = arith.constant 2 : i32
        %dma_wait3A_314 = arith.constant 0 : i32
        %dma_wait3A_315 = arith.constant 0 : i32
        %dma_wait3A_316 = tpu.memref_slice %arg8[%dma_wait3A_313, %dma_wait3A_314, %dma_wait3A_315] : memref<5x32x512xf32, #tpu.memory_space<vmem>> -> memref<1x32x512xf32, #tpu.memory_space<vmem>>
        %dma_wait3A_317 = tpu.memref_squeeze %dma_wait3A_316 : memref<1x32x512xf32, #tpu.memory_space<vmem>> -> memref<32x512xf32, #tpu.memory_space<vmem>>
        %dma_wait3A_318 = arith.constant 0 : i32
        %dma_wait3A_319 = tpu.memref_slice %arg5[%multiple_of3A, %dma_wait3A_318] : memref<327680x512xf32, #tpu.memory_space<hbm>> -> memref<32x512xf32, #tpu.memory_space<hbm>>
        %dma_wait3A_320 = arith.constant 0 : i32
        %dma_wait3A_321 = tpu.memref_slice %arg5[%multiple_of3A, %dma_wait3A_320] : memref<327680x512xf32, #tpu.memory_space<hbm>> -> memref<32x512xf32, #tpu.memory_space<hbm>>
        %dma_wait3A_322 = arith.constant 0 : i32
        %dma_wait3A_323 = arith.constant 0 : i32
        %dma_wait3A_324 = tpu.memref_slice %arg8[%dma_wait3A_313, %dma_wait3A_322, %dma_wait3A_323] : memref<5x32x512xf32, #tpu.memory_space<vmem>> -> memref<1x32x512xf32, #tpu.memory_space<vmem>>
        %dma_wait3A_325 = tpu.memref_squeeze %dma_wait3A_324 : memref<1x32x512xf32, #tpu.memory_space<vmem>> -> memref<32x512xf32, #tpu.memory_space<vmem>>
        tpu.wait_dma2 semaphore(%arg16 : memref<!tpu.dma_semaphore, #tpu.memory_space<semaphore_mem>>) src(%dma_wait3A_325 : memref<32x512xf32, #tpu.memory_space<vmem>>) dst(%dma_wait3A_321 : memref<32x512xf32, #tpu.memory_space<hbm>>)
      } else {
      }
      %add3A_80 = arith.constant 2 : i32
      %add3A_81 = arith.addi %add3A_75, %add3A_80 : i32
      %lt3A = arith.constant 320 : i32
      %lt3A_82 = arith.cmpi slt, %add3A_81, %lt3A : i32
      %convert_element_type3A_83 = arith.extui %lt3A_82 : i1 to i32
      %cond3A_84 = arith.constant 0 : i32
      %cond3A_85 = arith.cmpi ne, %convert_element_type3A_83, %cond3A_84 : i32
      scf.if %cond3A_85 {
        %add3A_313 = arith.constant 2 : i32
        %add3A_314 = arith.addi %add3A_75, %add3A_313 : i32
        %mul3A_315 = arith.constant 32 : i32
        %mul3A_316 = arith.muli %add3A_314, %mul3A_315 : i32
        %dma_start3A_317 = arith.constant 2 : i32
        %dma_start3A_318 = arith.constant 0 : i32
        %dma_start3A_319 = arith.constant 0 : i32
        %dma_start3A_320 = tpu.memref_slice %arg8[%dma_start3A_317, %dma_start3A_318, %dma_start3A_319] : memref<5x32x512xf32, #tpu.memory_space<vmem>> -> memref<1x32x512xf32, #tpu.memory_space<vmem>>
        %dma_start3A_321 = tpu.memref_squeeze %dma_start3A_320 : memref<1x32x512xf32, #tpu.memory_space<vmem>> -> memref<32x512xf32, #tpu.memory_space<vmem>>
        %dma_start3A_322 = tpu.memref_slice %arg6[%mul3A_316] : memref<10240xi32, #tpu.memory_space<vmem>> -> memref<32xi32, #tpu.memory_space<vmem>>
        %dma_start3A_323 = arith.constant 0 : i32
        %dma_start3A_324 = arith.constant 0 : i32
        %dma_start3A_325 = tpu.memref_slice %arg2[%dma_start3A_323, %dma_start3A_324] : memref<131072x512xf32, #tpu.memory_space<hbm>> -> memref<131072x512xf32, #tpu.memory_space<hbm>>
        tpu.enqueue_indirect_dma source(%dma_start3A_325 : memref<131072x512xf32, #tpu.memory_space<hbm>>) target(%dma_start3A_321 : memref<32x512xf32, #tpu.memory_space<vmem>>) offsets(%dma_start3A_322 : memref<32xi32, #tpu.memory_space<vmem>>) semaphore(%arg11 : memref<!tpu.dma_semaphore, #tpu.memory_space<semaphore_mem>>)
      } else {
      }
      %dma_wait3A_86 = arith.constant 0 : i32
      %dma_wait3A_87 = arith.constant 0 : i32
      %dma_wait3A_88 = arith.constant 0 : i32
      %dma_wait3A_89 = tpu.memref_slice %arg8[%dma_wait3A_86, %dma_wait3A_87, %dma_wait3A_88] : memref<5x32x512xf32, #tpu.memory_space<vmem>> -> memref<1x32x512xf32, #tpu.memory_space<vmem>>
      %dma_wait3A_90 = tpu.memref_squeeze %dma_wait3A_89 : memref<1x32x512xf32, #tpu.memory_space<vmem>> -> memref<32x512xf32, #tpu.memory_space<vmem>>
      %dma_wait3A_91 = arith.constant 0 : i32
      %dma_wait3A_92 = arith.constant 0 : i32
      %dma_wait3A_93 = tpu.memref_slice %arg2[%dma_wait3A_91, %dma_wait3A_92] : memref<131072x512xf32, #tpu.memory_space<hbm>> -> memref<32x512xf32, #tpu.memory_space<hbm>>
      %dma_wait3A_94 = arith.constant 0 : i32
      %dma_wait3A_95 = arith.constant 0 : i32
      %dma_wait3A_96 = tpu.memref_slice %arg8[%dma_wait3A_86, %dma_wait3A_94, %dma_wait3A_95] : memref<5x32x512xf32, #tpu.memory_space<vmem>> -> memref<1x32x512xf32, #tpu.memory_space<vmem>>
      %dma_wait3A_97 = tpu.memref_squeeze %dma_wait3A_96 : memref<1x32x512xf32, #tpu.memory_space<vmem>> -> memref<32x512xf32, #tpu.memory_space<vmem>>
      %dma_wait3A_98 = arith.constant 0 : i32
      %dma_wait3A_99 = arith.constant 0 : i32
      %dma_wait3A_100 = tpu.memref_slice %arg2[%dma_wait3A_98, %dma_wait3A_99] : memref<131072x512xf32, #tpu.memory_space<hbm>> -> memref<32x512xf32, #tpu.memory_space<hbm>>
      tpu.wait_dma2 semaphore(%arg9 : memref<!tpu.dma_semaphore, #tpu.memory_space<semaphore_mem>>) src(%dma_wait3A_100 : memref<32x512xf32, #tpu.memory_space<hbm>>) dst(%dma_wait3A_97 : memref<32x512xf32, #tpu.memory_space<vmem>>)
      %mul3A_101 = arith.constant 32 : i32
      %mul3A_102 = arith.muli %add3A_75, %mul3A_101 : i32
      %add3A_103 = arith.addi %multiple_of3A, %mul3A_102 : i32
      %dma_start3A_104 = arith.constant 0 : i32
      %dma_start3A_105 = arith.constant 0 : i32
      %dma_start3A_106 = arith.constant 0 : i32
      %dma_start3A_107 = tpu.memref_slice %arg8[%dma_start3A_104, %dma_start3A_105, %dma_start3A_106] : memref<5x32x512xf32, #tpu.memory_space<vmem>> -> memref<1x32x512xf32, #tpu.memory_space<vmem>>
      %dma_start3A_108 = tpu.memref_squeeze %dma_start3A_107 : memref<1x32x512xf32, #tpu.memory_space<vmem>> -> memref<32x512xf32, #tpu.memory_space<vmem>>
      %dma_start3A_109 = arith.constant 0 : i32
      %dma_start3A_110 = tpu.memref_slice %arg5[%add3A_103, %dma_start3A_109] : memref<327680x512xf32, #tpu.memory_space<hbm>> -> memref<32x512xf32, #tpu.memory_space<hbm>>
      %dma_start3A_111 = arith.constant 0 : i32
      %dma_start3A_112 = tpu.memref_slice %arg5[%add3A_103, %dma_start3A_111] : memref<327680x512xf32, #tpu.memory_space<hbm>> -> memref<32x512xf32, #tpu.memory_space<hbm>>
      %dma_start3A_113 = arith.constant 0 : i32
      %dma_start3A_114 = arith.constant 0 : i32
      %dma_start3A_115 = tpu.memref_slice %arg8[%dma_start3A_104, %dma_start3A_113, %dma_start3A_114] : memref<5x32x512xf32, #tpu.memory_space<vmem>> -> memref<1x32x512xf32, #tpu.memory_space<vmem>>
      %dma_start3A_116 = tpu.memref_squeeze %dma_start3A_115 : memref<1x32x512xf32, #tpu.memory_space<vmem>> -> memref<32x512xf32, #tpu.memory_space<vmem>>
      tpu.enqueue_dma source(%dma_start3A_116 : memref<32x512xf32, #tpu.memory_space<vmem>>) target(%dma_start3A_112 : memref<32x512xf32, #tpu.memory_space<hbm>>) target_semaphore(%arg14 : memref<!tpu.dma_semaphore, #tpu.memory_space<semaphore_mem>>)
      %mul3A_117 = arith.constant 5 : i32
      %mul3A_118 = arith.muli %scan3A_71, %mul3A_117 : i32
      %add3A_119 = arith.constant 1 : i32
      %add3A_120 = arith.addi %mul3A_118, %add3A_119 : i32
      %add3A_121 = arith.constant 2 : i32
      %add3A_122 = arith.addi %add3A_120, %add3A_121 : i32
      %ge3A_123 = arith.constant 5 : i32
      %ge3A_124 = arith.cmpi sge, %add3A_122, %ge3A_123 : i32
      %convert_element_type3A_125 = arith.extui %ge3A_124 : i1 to i32
      %cond3A_126 = arith.constant 0 : i32
      %cond3A_127 = arith.cmpi ne, %convert_element_type3A_125, %cond3A_126 : i32
      scf.if %cond3A_127 {
        %dma_wait3A_313 = arith.constant 3 : i32
        %dma_wait3A_314 = arith.constant 0 : i32
        %dma_wait3A_315 = arith.constant 0 : i32
        %dma_wait3A_316 = tpu.memref_slice %arg8[%dma_wait3A_313, %dma_wait3A_314, %dma_wait3A_315] : memref<5x32x512xf32, #tpu.memory_space<vmem>> -> memref<1x32x512xf32, #tpu.memory_space<vmem>>
        %dma_wait3A_317 = tpu.memref_squeeze %dma_wait3A_316 : memref<1x32x512xf32, #tpu.memory_space<vmem>> -> memref<32x512xf32, #tpu.memory_space<vmem>>
        %dma_wait3A_318 = arith.constant 0 : i32
        %dma_wait3A_319 = tpu.memref_slice %arg5[%multiple_of3A, %dma_wait3A_318] : memref<327680x512xf32, #tpu.memory_space<hbm>> -> memref<32x512xf32, #tpu.memory_space<hbm>>
        %dma_wait3A_320 = arith.constant 0 : i32
        %dma_wait3A_321 = tpu.memref_slice %arg5[%multiple_of3A, %dma_wait3A_320] : memref<327680x512xf32, #tpu.memory_space<hbm>> -> memref<32x512xf32, #tpu.memory_space<hbm>>
        %dma_wait3A_322 = arith.constant 0 : i32
        %dma_wait3A_323 = arith.constant 0 : i32
        %dma_wait3A_324 = tpu.memref_slice %arg8[%dma_wait3A_313, %dma_wait3A_322, %dma_wait3A_323] : memref<5x32x512xf32, #tpu.memory_space<vmem>> -> memref<1x32x512xf32, #tpu.memory_space<vmem>>
        %dma_wait3A_325 = tpu.memref_squeeze %dma_wait3A_324 : memref<1x32x512xf32, #tpu.memory_space<vmem>> -> memref<32x512xf32, #tpu.memory_space<vmem>>
        tpu.wait_dma2 semaphore(%arg17 : memref<!tpu.dma_semaphore, #tpu.memory_space<semaphore_mem>>) src(%dma_wait3A_325 : memref<32x512xf32, #tpu.memory_space<vmem>>) dst(%dma_wait3A_321 : memref<32x512xf32, #tpu.memory_space<hbm>>)
      } else {
      }
      %add3A_128 = arith.constant 2 : i32
      %add3A_129 = arith.addi %add3A_120, %add3A_128 : i32
      %lt3A_130 = arith.constant 320 : i32
      %lt3A_131 = arith.cmpi slt, %add3A_129, %lt3A_130 : i32
      %convert_element_type3A_132 = arith.extui %lt3A_131 : i1 to i32
      %cond3A_133 = arith.constant 0 : i32
      %cond3A_134 = arith.cmpi ne, %convert_element_type3A_132, %cond3A_133 : i32
      scf.if %cond3A_134 {
        %add3A_313 = arith.constant 2 : i32
        %add3A_314 = arith.addi %add3A_120, %add3A_313 : i32
        %mul3A_315 = arith.constant 32 : i32
        %mul3A_316 = arith.muli %add3A_314, %mul3A_315 : i32
        %dma_start3A_317 = arith.constant 3 : i32
        %dma_start3A_318 = arith.constant 0 : i32
        %dma_start3A_319 = arith.constant 0 : i32
        %dma_start3A_320 = tpu.memref_slice %arg8[%dma_start3A_317, %dma_start3A_318, %dma_start3A_319] : memref<5x32x512xf32, #tpu.memory_space<vmem>> -> memref<1x32x512xf32, #tpu.memory_space<vmem>>
        %dma_start3A_321 = tpu.memref_squeeze %dma_start3A_320 : memref<1x32x512xf32, #tpu.memory_space<vmem>> -> memref<32x512xf32, #tpu.memory_space<vmem>>
        %dma_start3A_322 = tpu.memref_slice %arg6[%mul3A_316] : memref<10240xi32, #tpu.memory_space<vmem>> -> memref<32xi32, #tpu.memory_space<vmem>>
        %dma_start3A_323 = arith.constant 0 : i32
        %dma_start3A_324 = arith.constant 0 : i32
        %dma_start3A_325 = tpu.memref_slice %arg2[%dma_start3A_323, %dma_start3A_324] : memref<131072x512xf32, #tpu.memory_space<hbm>> -> memref<131072x512xf32, #tpu.memory_space<hbm>>
        tpu.enqueue_indirect_dma source(%dma_start3A_325 : memref<131072x512xf32, #tpu.memory_space<hbm>>) target(%dma_start3A_321 : memref<32x512xf32, #tpu.memory_space<vmem>>) offsets(%dma_start3A_322 : memref<32xi32, #tpu.memory_space<vmem>>) semaphore(%arg12 : memref<!tpu.dma_semaphore, #tpu.memory_space<semaphore_mem>>)
      } else {
      }
      %dma_wait3A_135 = arith.constant 1 : i32
      %dma_wait3A_136 = arith.constant 0 : i32
      %dma_wait3A_137 = arith.constant 0 : i32
      %dma_wait3A_138 = tpu.memref_slice %arg8[%dma_wait3A_135, %dma_wait3A_136, %dma_wait3A_137] : memref<5x32x512xf32, #tpu.memory_space<vmem>> -> memref<1x32x512xf32, #tpu.memory_space<vmem>>
      %dma_wait3A_139 = tpu.memref_squeeze %dma_wait3A_138 : memref<1x32x512xf32, #tpu.memory_space<vmem>> -> memref<32x512xf32, #tpu.memory_space<vmem>>
      %dma_wait3A_140 = arith.constant 0 : i32
      %dma_wait3A_141 = arith.constant 0 : i32
      %dma_wait3A_142 = tpu.memref_slice %arg2[%dma_wait3A_140, %dma_wait3A_141] : memref<131072x512xf32, #tpu.memory_space<hbm>> -> memref<32x512xf32, #tpu.memory_space<hbm>>
      %dma_wait3A_143 = arith.constant 0 : i32
      %dma_wait3A_144 = arith.constant 0 : i32
      %dma_wait3A_145 = tpu.memref_slice %arg8[%dma_wait3A_135, %dma_wait3A_143, %dma_wait3A_144] : memref<5x32x512xf32, #tpu.memory_space<vmem>> -> memref<1x32x512xf32, #tpu.memory_space<vmem>>
      %dma_wait3A_146 = tpu.memref_squeeze %dma_wait3A_145 : memref<1x32x512xf32, #tpu.memory_space<vmem>> -> memref<32x512xf32, #tpu.memory_space<vmem>>
      %dma_wait3A_147 = arith.constant 0 : i32
      %dma_wait3A_148 = arith.constant 0 : i32
      %dma_wait3A_149 = tpu.memref_slice %arg2[%dma_wait3A_147, %dma_wait3A_148] : memref<131072x512xf32, #tpu.memory_space<hbm>> -> memref<32x512xf32, #tpu.memory_space<hbm>>
      tpu.wait_dma2 semaphore(%arg10 : memref<!tpu.dma_semaphore, #tpu.memory_space<semaphore_mem>>) src(%dma_wait3A_149 : memref<32x512xf32, #tpu.memory_space<hbm>>) dst(%dma_wait3A_146 : memref<32x512xf32, #tpu.memory_space<vmem>>)
      %mul3A_150 = arith.constant 32 : i32
      %mul3A_151 = arith.muli %add3A_120, %mul3A_150 : i32
      %add3A_152 = arith.addi %multiple_of3A, %mul3A_151 : i32
      %dma_start3A_153 = arith.constant 1 : i32
      %dma_start3A_154 = arith.constant 0 : i32
      %dma_start3A_155 = arith.constant 0 : i32
      %dma_start3A_156 = tpu.memref_slice %arg8[%dma_start3A_153, %dma_start3A_154, %dma_start3A_155] : memref<5x32x512xf32, #tpu.memory_space<vmem>> -> memref<1x32x512xf32, #tpu.memory_space<vmem>>
      %dma_start3A_157 = tpu.memref_squeeze %dma_start3A_156 : memref<1x32x512xf32, #tpu.memory_space<vmem>> -> memref<32x512xf32, #tpu.memory_space<vmem>>
      %dma_start3A_158 = arith.constant 0 : i32
      %dma_start3A_159 = tpu.memref_slice %arg5[%add3A_152, %dma_start3A_158] : memref<327680x512xf32, #tpu.memory_space<hbm>> -> memref<32x512xf32, #tpu.memory_space<hbm>>
      %dma_start3A_160 = arith.constant 0 : i32
      %dma_start3A_161 = tpu.memref_slice %arg5[%add3A_152, %dma_start3A_160] : memref<327680x512xf32, #tpu.memory_space<hbm>> -> memref<32x512xf32, #tpu.memory_space<hbm>>
      %dma_start3A_162 = arith.constant 0 : i32
      %dma_start3A_163 = arith.constant 0 : i32
      %dma_start3A_164 = tpu.memref_slice %arg8[%dma_start3A_153, %dma_start3A_162, %dma_start3A_163] : memref<5x32x512xf32, #tpu.memory_space<vmem>> -> memref<1x32x512xf32, #tpu.memory_space<vmem>>
      %dma_start3A_165 = tpu.memref_squeeze %dma_start3A_164 : memref<1x32x512xf32, #tpu.memory_space<vmem>> -> memref<32x512xf32, #tpu.memory_space<vmem>>
      tpu.enqueue_dma source(%dma_start3A_165 : memref<32x512xf32, #tpu.memory_space<vmem>>) target(%dma_start3A_161 : memref<32x512xf32, #tpu.memory_space<hbm>>) target_semaphore(%arg15 : memref<!tpu.dma_semaphore, #tpu.memory_space<semaphore_mem>>)
      %mul3A_166 = arith.constant 5 : i32
      %mul3A_167 = arith.muli %scan3A_71, %mul3A_166 : i32
      %add3A_168 = arith.constant 2 : i32
      %add3A_169 = arith.addi %mul3A_167, %add3A_168 : i32
      %add3A_170 = arith.constant 2 : i32
      %add3A_171 = arith.addi %add3A_169, %add3A_170 : i32
      %ge3A_172 = arith.constant 5 : i32
      %ge3A_173 = arith.cmpi sge, %add3A_171, %ge3A_172 : i32
      %convert_element_type3A_174 = arith.extui %ge3A_173 : i1 to i32
      %cond3A_175 = arith.constant 0 : i32
      %cond3A_176 = arith.cmpi ne, %convert_element_type3A_174, %cond3A_175 : i32
      scf.if %cond3A_176 {
        %dma_wait3A_313 = arith.constant 4 : i32
        %dma_wait3A_314 = arith.constant 0 : i32
        %dma_wait3A_315 = arith.constant 0 : i32
        %dma_wait3A_316 = tpu.memref_slice %arg8[%dma_wait3A_313, %dma_wait3A_314, %dma_wait3A_315] : memref<5x32x512xf32, #tpu.memory_space<vmem>> -> memref<1x32x512xf32, #tpu.memory_space<vmem>>
        %dma_wait3A_317 = tpu.memref_squeeze %dma_wait3A_316 : memref<1x32x512xf32, #tpu.memory_space<vmem>> -> memref<32x512xf32, #tpu.memory_space<vmem>>
        %dma_wait3A_318 = arith.constant 0 : i32
        %dma_wait3A_319 = tpu.memref_slice %arg5[%multiple_of3A, %dma_wait3A_318] : memref<327680x512xf32, #tpu.memory_space<hbm>> -> memref<32x512xf32, #tpu.memory_space<hbm>>
        %dma_wait3A_320 = arith.constant 0 : i32
        %dma_wait3A_321 = tpu.memref_slice %arg5[%multiple_of3A, %dma_wait3A_320] : memref<327680x512xf32, #tpu.memory_space<hbm>> -> memref<32x512xf32, #tpu.memory_space<hbm>>
        %dma_wait3A_322 = arith.constant 0 : i32
        %dma_wait3A_323 = arith.constant 0 : i32
        %dma_wait3A_324 = tpu.memref_slice %arg8[%dma_wait3A_313, %dma_wait3A_322, %dma_wait3A_323] : memref<5x32x512xf32, #tpu.memory_space<vmem>> -> memref<1x32x512xf32, #tpu.memory_space<vmem>>
        %dma_wait3A_325 = tpu.memref_squeeze %dma_wait3A_324 : memref<1x32x512xf32, #tpu.memory_space<vmem>> -> memref<32x512xf32, #tpu.memory_space<vmem>>
        tpu.wait_dma2 semaphore(%arg18 : memref<!tpu.dma_semaphore, #tpu.memory_space<semaphore_mem>>) src(%dma_wait3A_325 : memref<32x512xf32, #tpu.memory_space<vmem>>) dst(%dma_wait3A_321 : memref<32x512xf32, #tpu.memory_space<hbm>>)
      } else {
      }
      %add3A_177 = arith.constant 2 : i32
      %add3A_178 = arith.addi %add3A_169, %add3A_177 : i32
      %lt3A_179 = arith.constant 320 : i32
      %lt3A_180 = arith.cmpi slt, %add3A_178, %lt3A_179 : i32
      %convert_element_type3A_181 = arith.extui %lt3A_180 : i1 to i32
      %cond3A_182 = arith.constant 0 : i32
      %cond3A_183 = arith.cmpi ne, %convert_element_type3A_181, %cond3A_182 : i32
      scf.if %cond3A_183 {
        %add3A_313 = arith.constant 2 : i32
        %add3A_314 = arith.addi %add3A_169, %add3A_313 : i32
        %mul3A_315 = arith.constant 32 : i32
        %mul3A_316 = arith.muli %add3A_314, %mul3A_315 : i32
        %dma_start3A_317 = arith.constant 4 : i32
        %dma_start3A_318 = arith.constant 0 : i32
        %dma_start3A_319 = arith.constant 0 : i32
        %dma_start3A_320 = tpu.memref_slice %arg8[%dma_start3A_317, %dma_start3A_318, %dma_start3A_319] : memref<5x32x512xf32, #tpu.memory_space<vmem>> -> memref<1x32x512xf32, #tpu.memory_space<vmem>>
        %dma_start3A_321 = tpu.memref_squeeze %dma_start3A_320 : memref<1x32x512xf32, #tpu.memory_space<vmem>> -> memref<32x512xf32, #tpu.memory_space<vmem>>
        %dma_start3A_322 = tpu.memref_slice %arg6[%mul3A_316] : memref<10240xi32, #tpu.memory_space<vmem>> -> memref<32xi32, #tpu.memory_space<vmem>>
        %dma_start3A_323 = arith.constant 0 : i32
        %dma_start3A_324 = arith.constant 0 : i32
        %dma_start3A_325 = tpu.memref_slice %arg2[%dma_start3A_323, %dma_start3A_324] : memref<131072x512xf32, #tpu.memory_space<hbm>> -> memref<131072x512xf32, #tpu.memory_space<hbm>>
        tpu.enqueue_indirect_dma source(%dma_start3A_325 : memref<131072x512xf32, #tpu.memory_space<hbm>>) target(%dma_start3A_321 : memref<32x512xf32, #tpu.memory_space<vmem>>) offsets(%dma_start3A_322 : memref<32xi32, #tpu.memory_space<vmem>>) semaphore(%arg13 : memref<!tpu.dma_semaphore, #tpu.memory_space<semaphore_mem>>)
      } else {
      }
      %dma_wait3A_184 = arith.constant 2 : i32
      %dma_wait3A_185 = arith.constant 0 : i32
      %dma_wait3A_186 = arith.constant 0 : i32
      %dma_wait3A_187 = tpu.memref_slice %arg8[%dma_wait3A_184, %dma_wait3A_185, %dma_wait3A_186] : memref<5x32x512xf32, #tpu.memory_space<vmem>> -> memref<1x32x512xf32, #tpu.memory_space<vmem>>
      %dma_wait3A_188 = tpu.memref_squeeze %dma_wait3A_187 : memref<1x32x512xf32, #tpu.memory_space<vmem>> -> memref<32x512xf32, #tpu.memory_space<vmem>>
      %dma_wait3A_189 = arith.constant 0 : i32
      %dma_wait3A_190 = arith.constant 0 : i32
      %dma_wait3A_191 = tpu.memref_slice %arg2[%dma_wait3A_189, %dma_wait3A_190] : memref<131072x512xf32, #tpu.memory_space<hbm>> -> memref<32x512xf32, #tpu.memory_space<hbm>>
      %dma_wait3A_192 = arith.constant 0 : i32
      %dma_wait3A_193 = arith.constant 0 : i32
      %dma_wait3A_194 = tpu.memref_slice %arg8[%dma_wait3A_184, %dma_wait3A_192, %dma_wait3A_193] : memref<5x32x512xf32, #tpu.memory_space<vmem>> -> memref<1x32x512xf32, #tpu.memory_space<vmem>>
      %dma_wait3A_195 = tpu.memref_squeeze %dma_wait3A_194 : memref<1x32x512xf32, #tpu.memory_space<vmem>> -> memref<32x512xf32, #tpu.memory_space<vmem>>
      %dma_wait3A_196 = arith.constant 0 : i32
      %dma_wait3A_197 = arith.constant 0 : i32
      %dma_wait3A_198 = tpu.memref_slice %arg2[%dma_wait3A_196, %dma_wait3A_197] : memref<131072x512xf32, #tpu.memory_space<hbm>> -> memref<32x512xf32, #tpu.memory_space<hbm>>
      tpu.wait_dma2 semaphore(%arg11 : memref<!tpu.dma_semaphore, #tpu.memory_space<semaphore_mem>>) src(%dma_wait3A_198 : memref<32x512xf32, #tpu.memory_space<hbm>>) dst(%dma_wait3A_195 : memref<32x512xf32, #tpu.memory_space<vmem>>)
      %mul3A_199 = arith.constant 32 : i32
      %mul3A_200 = arith.muli %add3A_169, %mul3A_199 : i32
      %add3A_201 = arith.addi %multiple_of3A, %mul3A_200 : i32
      %dma_start3A_202 = arith.constant 2 : i32
      %dma_start3A_203 = arith.constant 0 : i32
      %dma_start3A_204 = arith.constant 0 : i32
      %dma_start3A_205 = tpu.memref_slice %arg8[%dma_start3A_202, %dma_start3A_203, %dma_start3A_204] : memref<5x32x512xf32, #tpu.memory_space<vmem>> -> memref<1x32x512xf32, #tpu.memory_space<vmem>>
      %dma_start3A_206 = tpu.memref_squeeze %dma_start3A_205 : memref<1x32x512xf32, #tpu.memory_space<vmem>> -> memref<32x512xf32, #tpu.memory_space<vmem>>
      %dma_start3A_207 = arith.constant 0 : i32
      %dma_start3A_208 = tpu.memref_slice %arg5[%add3A_201, %dma_start3A_207] : memref<327680x512xf32, #tpu.memory_space<hbm>> -> memref<32x512xf32, #tpu.memory_space<hbm>>
      %dma_start3A_209 = arith.constant 0 : i32
      %dma_start3A_210 = tpu.memref_slice %arg5[%add3A_201, %dma_start3A_209] : memref<327680x512xf32, #tpu.memory_space<hbm>> -> memref<32x512xf32, #tpu.memory_space<hbm>>
      %dma_start3A_211 = arith.constant 0 : i32
      %dma_start3A_212 = arith.constant 0 : i32
      %dma_start3A_213 = tpu.memref_slice %arg8[%dma_start3A_202, %dma_start3A_211, %dma_start3A_212] : memref<5x32x512xf32, #tpu.memory_space<vmem>> -> memref<1x32x512xf32, #tpu.memory_space<vmem>>
      %dma_start3A_214 = tpu.memref_squeeze %dma_start3A_213 : memref<1x32x512xf32, #tpu.memory_space<vmem>> -> memref<32x512xf32, #tpu.memory_space<vmem>>
      tpu.enqueue_dma source(%dma_start3A_214 : memref<32x512xf32, #tpu.memory_space<vmem>>) target(%dma_start3A_210 : memref<32x512xf32, #tpu.memory_space<hbm>>) target_semaphore(%arg16 : memref<!tpu.dma_semaphore, #tpu.memory_space<semaphore_mem>>)
      %mul3A_215 = arith.constant 5 : i32
      %mul3A_216 = arith.muli %scan3A_71, %mul3A_215 : i32
      %add3A_217 = arith.constant 3 : i32
      %add3A_218 = arith.addi %mul3A_216, %add3A_217 : i32
      %add3A_219 = arith.constant 2 : i32
      %add3A_220 = arith.addi %add3A_218, %add3A_219 : i32
      %ge3A_221 = arith.constant 5 : i32
      %ge3A_222 = arith.cmpi sge, %add3A_220, %ge3A_221 : i32
      %convert_element_type3A_223 = arith.extui %ge3A_222 : i1 to i32
      %cond3A_224 = arith.constant 0 : i32
      %cond3A_225 = arith.cmpi ne, %convert_element_type3A_223, %cond3A_224 : i32
      scf.if %cond3A_225 {
        %dma_wait3A_313 = arith.constant 0 : i32
        %dma_wait3A_314 = arith.constant 0 : i32
        %dma_wait3A_315 = arith.constant 0 : i32
        %dma_wait3A_316 = tpu.memref_slice %arg8[%dma_wait3A_313, %dma_wait3A_314, %dma_wait3A_315] : memref<5x32x512xf32, #tpu.memory_space<vmem>> -> memref<1x32x512xf32, #tpu.memory_space<vmem>>
        %dma_wait3A_317 = tpu.memref_squeeze %dma_wait3A_316 : memref<1x32x512xf32, #tpu.memory_space<vmem>> -> memref<32x512xf32, #tpu.memory_space<vmem>>
        %dma_wait3A_318 = arith.constant 0 : i32
        %dma_wait3A_319 = tpu.memref_slice %arg5[%multiple_of3A, %dma_wait3A_318] : memref<327680x512xf32, #tpu.memory_space<hbm>> -> memref<32x512xf32, #tpu.memory_space<hbm>>
        %dma_wait3A_320 = arith.constant 0 : i32
        %dma_wait3A_321 = tpu.memref_slice %arg5[%multiple_of3A, %dma_wait3A_320] : memref<327680x512xf32, #tpu.memory_space<hbm>> -> memref<32x512xf32, #tpu.memory_space<hbm>>
        %dma_wait3A_322 = arith.constant 0 : i32
        %dma_wait3A_323 = arith.constant 0 : i32
        %dma_wait3A_324 = tpu.memref_slice %arg8[%dma_wait3A_313, %dma_wait3A_322, %dma_wait3A_323] : memref<5x32x512xf32, #tpu.memory_space<vmem>> -> memref<1x32x512xf32, #tpu.memory_space<vmem>>
        %dma_wait3A_325 = tpu.memref_squeeze %dma_wait3A_324 : memref<1x32x512xf32, #tpu.memory_space<vmem>> -> memref<32x512xf32, #tpu.memory_space<vmem>>
        tpu.wait_dma2 semaphore(%arg14 : memref<!tpu.dma_semaphore, #tpu.memory_space<semaphore_mem>>) src(%dma_wait3A_325 : memref<32x512xf32, #tpu.memory_space<vmem>>) dst(%dma_wait3A_321 : memref<32x512xf32, #tpu.memory_space<hbm>>)
      } else {
      }
      %add3A_226 = arith.constant 2 : i32
      %add3A_227 = arith.addi %add3A_218, %add3A_226 : i32
      %lt3A_228 = arith.constant 320 : i32
      %lt3A_229 = arith.cmpi slt, %add3A_227, %lt3A_228 : i32
      %convert_element_type3A_230 = arith.extui %lt3A_229 : i1 to i32
      %cond3A_231 = arith.constant 0 : i32
      %cond3A_232 = arith.cmpi ne, %convert_element_type3A_230, %cond3A_231 : i32
      scf.if %cond3A_232 {
        %add3A_313 = arith.constant 2 : i32
        %add3A_314 = arith.addi %add3A_218, %add3A_313 : i32
        %mul3A_315 = arith.constant 32 : i32
        %mul3A_316 = arith.muli %add3A_314, %mul3A_315 : i32
        %dma_start3A_317 = arith.constant 0 : i32
        %dma_start3A_318 = arith.constant 0 : i32
        %dma_start3A_319 = arith.constant 0 : i32
        %dma_start3A_320 = tpu.memref_slice %arg8[%dma_start3A_317, %dma_start3A_318, %dma_start3A_319] : memref<5x32x512xf32, #tpu.memory_space<vmem>> -> memref<1x32x512xf32, #tpu.memory_space<vmem>>
        %dma_start3A_321 = tpu.memref_squeeze %dma_start3A_320 : memref<1x32x512xf32, #tpu.memory_space<vmem>> -> memref<32x512xf32, #tpu.memory_space<vmem>>
        %dma_start3A_322 = tpu.memref_slice %arg6[%mul3A_316] : memref<10240xi32, #tpu.memory_space<vmem>> -> memref<32xi32, #tpu.memory_space<vmem>>
        %dma_start3A_323 = arith.constant 0 : i32
        %dma_start3A_324 = arith.constant 0 : i32
        %dma_start3A_325 = tpu.memref_slice %arg2[%dma_start3A_323, %dma_start3A_324] : memref<131072x512xf32, #tpu.memory_space<hbm>> -> memref<131072x512xf32, #tpu.memory_space<hbm>>
        tpu.enqueue_indirect_dma source(%dma_start3A_325 : memref<131072x512xf32, #tpu.memory_space<hbm>>) target(%dma_start3A_321 : memref<32x512xf32, #tpu.memory_space<vmem>>) offsets(%dma_start3A_322 : memref<32xi32, #tpu.memory_space<vmem>>) semaphore(%arg9 : memref<!tpu.dma_semaphore, #tpu.memory_space<semaphore_mem>>)
      } else {
      }
      %dma_wait3A_233 = arith.constant 3 : i32
      %dma_wait3A_234 = arith.constant 0 : i32
      %dma_wait3A_235 = arith.constant 0 : i32
      %dma_wait3A_236 = tpu.memref_slice %arg8[%dma_wait3A_233, %dma_wait3A_234, %dma_wait3A_235] : memref<5x32x512xf32, #tpu.memory_space<vmem>> -> memref<1x32x512xf32, #tpu.memory_space<vmem>>
      %dma_wait3A_237 = tpu.memref_squeeze %dma_wait3A_236 : memref<1x32x512xf32, #tpu.memory_space<vmem>> -> memref<32x512xf32, #tpu.memory_space<vmem>>
      %dma_wait3A_238 = arith.constant 0 : i32
      %dma_wait3A_239 = arith.constant 0 : i32
      %dma_wait3A_240 = tpu.memref_slice %arg2[%dma_wait3A_238, %dma_wait3A_239] : memref<131072x512xf32, #tpu.memory_space<hbm>> -> memref<32x512xf32, #tpu.memory_space<hbm>>
      %dma_wait3A_241 = arith.constant 0 : i32
      %dma_wait3A_242 = arith.constant 0 : i32
      %dma_wait3A_243 = tpu.memref_slice %arg8[%dma_wait3A_233, %dma_wait3A_241, %dma_wait3A_242] : memref<5x32x512xf32, #tpu.memory_space<vmem>> -> memref<1x32x512xf32, #tpu.memory_space<vmem>>
      %dma_wait3A_244 = tpu.memref_squeeze %dma_wait3A_243 : memref<1x32x512xf32, #tpu.memory_space<vmem>> -> memref<32x512xf32, #tpu.memory_space<vmem>>
      %dma_wait3A_245 = arith.constant 0 : i32
      %dma_wait3A_246 = arith.constant 0 : i32
      %dma_wait3A_247 = tpu.memref_slice %arg2[%dma_wait3A_245, %dma_wait3A_246] : memref<131072x512xf32, #tpu.memory_space<hbm>> -> memref<32x512xf32, #tpu.memory_space<hbm>>
      tpu.wait_dma2 semaphore(%arg12 : memref<!tpu.dma_semaphore, #tpu.memory_space<semaphore_mem>>) src(%dma_wait3A_247 : memref<32x512xf32, #tpu.memory_space<hbm>>) dst(%dma_wait3A_244 : memref<32x512xf32, #tpu.memory_space<vmem>>)
      %mul3A_248 = arith.constant 32 : i32
      %mul3A_249 = arith.muli %add3A_218, %mul3A_248 : i32
      %add3A_250 = arith.addi %multiple_of3A, %mul3A_249 : i32
      %dma_start3A_251 = arith.constant 3 : i32
      %dma_start3A_252 = arith.constant 0 : i32
      %dma_start3A_253 = arith.constant 0 : i32
      %dma_start3A_254 = tpu.memref_slice %arg8[%dma_start3A_251, %dma_start3A_252, %dma_start3A_253] : memref<5x32x512xf32, #tpu.memory_space<vmem>> -> memref<1x32x512xf32, #tpu.memory_space<vmem>>
      %dma_start3A_255 = tpu.memref_squeeze %dma_start3A_254 : memref<1x32x512xf32, #tpu.memory_space<vmem>> -> memref<32x512xf32, #tpu.memory_space<vmem>>
      %dma_start3A_256 = arith.constant 0 : i32
      %dma_start3A_257 = tpu.memref_slice %arg5[%add3A_250, %dma_start3A_256] : memref<327680x512xf32, #tpu.memory_space<hbm>> -> memref<32x512xf32, #tpu.memory_space<hbm>>
      %dma_start3A_258 = arith.constant 0 : i32
      %dma_start3A_259 = tpu.memref_slice %arg5[%add3A_250, %dma_start3A_258] : memref<327680x512xf32, #tpu.memory_space<hbm>> -> memref<32x512xf32, #tpu.memory_space<hbm>>
      %dma_start3A_260 = arith.constant 0 : i32
      %dma_start3A_261 = arith.constant 0 : i32
      %dma_start3A_262 = tpu.memref_slice %arg8[%dma_start3A_251, %dma_start3A_260, %dma_start3A_261] : memref<5x32x512xf32, #tpu.memory_space<vmem>> -> memref<1x32x512xf32, #tpu.memory_space<vmem>>
      %dma_start3A_263 = tpu.memref_squeeze %dma_start3A_262 : memref<1x32x512xf32, #tpu.memory_space<vmem>> -> memref<32x512xf32, #tpu.memory_space<vmem>>
      tpu.enqueue_dma source(%dma_start3A_263 : memref<32x512xf32, #tpu.memory_space<vmem>>) target(%dma_start3A_259 : memref<32x512xf32, #tpu.memory_space<hbm>>) target_semaphore(%arg17 : memref<!tpu.dma_semaphore, #tpu.memory_space<semaphore_mem>>)
      %mul3A_264 = arith.constant 5 : i32
      %mul3A_265 = arith.muli %scan3A_71, %mul3A_264 : i32
      %add3A_266 = arith.constant 4 : i32
      %add3A_267 = arith.addi %mul3A_265, %add3A_266 : i32
      %add3A_268 = arith.constant 2 : i32
      %add3A_269 = arith.addi %add3A_267, %add3A_268 : i32
      %ge3A_270 = arith.constant 5 : i32
      %ge3A_271 = arith.cmpi sge, %add3A_269, %ge3A_270 : i32
      %convert_element_type3A_272 = arith.extui %ge3A_271 : i1 to i32
      %cond3A_273 = arith.constant 0 : i32
      %cond3A_274 = arith.cmpi ne, %convert_element_type3A_272, %cond3A_273 : i32
      scf.if %cond3A_274 {
        %dma_wait3A_313 = arith.constant 1 : i32
        %dma_wait3A_314 = arith.constant 0 : i32
        %dma_wait3A_315 = arith.constant 0 : i32
        %dma_wait3A_316 = tpu.memref_slice %arg8[%dma_wait3A_313, %dma_wait3A_314, %dma_wait3A_315] : memref<5x32x512xf32, #tpu.memory_space<vmem>> -> memref<1x32x512xf32, #tpu.memory_space<vmem>>
        %dma_wait3A_317 = tpu.memref_squeeze %dma_wait3A_316 : memref<1x32x512xf32, #tpu.memory_space<vmem>> -> memref<32x512xf32, #tpu.memory_space<vmem>>
        %dma_wait3A_318 = arith.constant 0 : i32
        %dma_wait3A_319 = tpu.memref_slice %arg5[%multiple_of3A, %dma_wait3A_318] : memref<327680x512xf32, #tpu.memory_space<hbm>> -> memref<32x512xf32, #tpu.memory_space<hbm>>
        %dma_wait3A_320 = arith.constant 0 : i32
        %dma_wait3A_321 = tpu.memref_slice %arg5[%multiple_of3A, %dma_wait3A_320] : memref<327680x512xf32, #tpu.memory_space<hbm>> -> memref<32x512xf32, #tpu.memory_space<hbm>>
        %dma_wait3A_322 = arith.constant 0 : i32
        %dma_wait3A_323 = arith.constant 0 : i32
        %dma_wait3A_324 = tpu.memref_slice %arg8[%dma_wait3A_313, %dma_wait3A_322, %dma_wait3A_323] : memref<5x32x512xf32, #tpu.memory_space<vmem>> -> memref<1x32x512xf32, #tpu.memory_space<vmem>>
        %dma_wait3A_325 = tpu.memref_squeeze %dma_wait3A_324 : memref<1x32x512xf32, #tpu.memory_space<vmem>> -> memref<32x512xf32, #tpu.memory_space<vmem>>
        tpu.wait_dma2 semaphore(%arg15 : memref<!tpu.dma_semaphore, #tpu.memory_space<semaphore_mem>>) src(%dma_wait3A_325 : memref<32x512xf32, #tpu.memory_space<vmem>>) dst(%dma_wait3A_321 : memref<32x512xf32, #tpu.memory_space<hbm>>)
      } else {
      }
      %add3A_275 = arith.constant 2 : i32
      %add3A_276 = arith.addi %add3A_267, %add3A_275 : i32
      %lt3A_277 = arith.constant 320 : i32
      %lt3A_278 = arith.cmpi slt, %add3A_276, %lt3A_277 : i32
      %convert_element_type3A_279 = arith.extui %lt3A_278 : i1 to i32
      %cond3A_280 = arith.constant 0 : i32
      %cond3A_281 = arith.cmpi ne, %convert_element_type3A_279, %cond3A_280 : i32
      scf.if %cond3A_281 {
        %add3A_313 = arith.constant 2 : i32
        %add3A_314 = arith.addi %add3A_267, %add3A_313 : i32
        %mul3A_315 = arith.constant 32 : i32
        %mul3A_316 = arith.muli %add3A_314, %mul3A_315 : i32
        %dma_start3A_317 = arith.constant 1 : i32
        %dma_start3A_318 = arith.constant 0 : i32
        %dma_start3A_319 = arith.constant 0 : i32
        %dma_start3A_320 = tpu.memref_slice %arg8[%dma_start3A_317, %dma_start3A_318, %dma_start3A_319] : memref<5x32x512xf32, #tpu.memory_space<vmem>> -> memref<1x32x512xf32, #tpu.memory_space<vmem>>
        %dma_start3A_321 = tpu.memref_squeeze %dma_start3A_320 : memref<1x32x512xf32, #tpu.memory_space<vmem>> -> memref<32x512xf32, #tpu.memory_space<vmem>>
        %dma_start3A_322 = tpu.memref_slice %arg6[%mul3A_316] : memref<10240xi32, #tpu.memory_space<vmem>> -> memref<32xi32, #tpu.memory_space<vmem>>
        %dma_start3A_323 = arith.constant 0 : i32
        %dma_start3A_324 = arith.constant 0 : i32
        %dma_start3A_325 = tpu.memref_slice %arg2[%dma_start3A_323, %dma_start3A_324] : memref<131072x512xf32, #tpu.memory_space<hbm>> -> memref<131072x512xf32, #tpu.memory_space<hbm>>
        tpu.enqueue_indirect_dma source(%dma_start3A_325 : memref<131072x512xf32, #tpu.memory_space<hbm>>) target(%dma_start3A_321 : memref<32x512xf32, #tpu.memory_space<vmem>>) offsets(%dma_start3A_322 : memref<32xi32, #tpu.memory_space<vmem>>) semaphore(%arg10 : memref<!tpu.dma_semaphore, #tpu.memory_space<semaphore_mem>>)
      } else {
      }
      %dma_wait3A_282 = arith.constant 4 : i32
      %dma_wait3A_283 = arith.constant 0 : i32
      %dma_wait3A_284 = arith.constant 0 : i32
      %dma_wait3A_285 = tpu.memref_slice %arg8[%dma_wait3A_282, %dma_wait3A_283, %dma_wait3A_284] : memref<5x32x512xf32, #tpu.memory_space<vmem>> -> memref<1x32x512xf32, #tpu.memory_space<vmem>>
      %dma_wait3A_286 = tpu.memref_squeeze %dma_wait3A_285 : memref<1x32x512xf32, #tpu.memory_space<vmem>> -> memref<32x512xf32, #tpu.memory_space<vmem>>
      %dma_wait3A_287 = arith.constant 0 : i32
      %dma_wait3A_288 = arith.constant 0 : i32
      %dma_wait3A_289 = tpu.memref_slice %arg2[%dma_wait3A_287, %dma_wait3A_288] : memref<131072x512xf32, #tpu.memory_space<hbm>> -> memref<32x512xf32, #tpu.memory_space<hbm>>
      %dma_wait3A_290 = arith.constant 0 : i32
      %dma_wait3A_291 = arith.constant 0 : i32
      %dma_wait3A_292 = tpu.memref_slice %arg8[%dma_wait3A_282, %dma_wait3A_290, %dma_wait3A_291] : memref<5x32x512xf32, #tpu.memory_space<vmem>> -> memref<1x32x512xf32, #tpu.memory_space<vmem>>
      %dma_wait3A_293 = tpu.memref_squeeze %dma_wait3A_292 : memref<1x32x512xf32, #tpu.memory_space<vmem>> -> memref<32x512xf32, #tpu.memory_space<vmem>>
      %dma_wait3A_294 = arith.constant 0 : i32
      %dma_wait3A_295 = arith.constant 0 : i32
      %dma_wait3A_296 = tpu.memref_slice %arg2[%dma_wait3A_294, %dma_wait3A_295] : memref<131072x512xf32, #tpu.memory_space<hbm>> -> memref<32x512xf32, #tpu.memory_space<hbm>>
      tpu.wait_dma2 semaphore(%arg13 : memref<!tpu.dma_semaphore, #tpu.memory_space<semaphore_mem>>) src(%dma_wait3A_296 : memref<32x512xf32, #tpu.memory_space<hbm>>) dst(%dma_wait3A_293 : memref<32x512xf32, #tpu.memory_space<vmem>>)
      %mul3A_297 = arith.constant 32 : i32
      %mul3A_298 = arith.muli %add3A_267, %mul3A_297 : i32
      %add3A_299 = arith.addi %multiple_of3A, %mul3A_298 : i32
      %dma_start3A_300 = arith.constant 4 : i32
      %dma_start3A_301 = arith.constant 0 : i32
      %dma_start3A_302 = arith.constant 0 : i32
      %dma_start3A_303 = tpu.memref_slice %arg8[%dma_start3A_300, %dma_start3A_301, %dma_start3A_302] : memref<5x32x512xf32, #tpu.memory_space<vmem>> -> memref<1x32x512xf32, #tpu.memory_space<vmem>>
      %dma_start3A_304 = tpu.memref_squeeze %dma_start3A_303 : memref<1x32x512xf32, #tpu.memory_space<vmem>> -> memref<32x512xf32, #tpu.memory_space<vmem>>
      %dma_start3A_305 = arith.constant 0 : i32
      %dma_start3A_306 = tpu.memref_slice %arg5[%add3A_299, %dma_start3A_305] : memref<327680x512xf32, #tpu.memory_space<hbm>> -> memref<32x512xf32, #tpu.memory_space<hbm>>
      %dma_start3A_307 = arith.constant 0 : i32
      %dma_start3A_308 = tpu.memref_slice %arg5[%add3A_299, %dma_start3A_307] : memref<327680x512xf32, #tpu.memory_space<hbm>> -> memref<32x512xf32, #tpu.memory_space<hbm>>
      %dma_start3A_309 = arith.constant 0 : i32
      %dma_start3A_310 = arith.constant 0 : i32
      %dma_start3A_311 = tpu.memref_slice %arg8[%dma_start3A_300, %dma_start3A_309, %dma_start3A_310] : memref<5x32x512xf32, #tpu.memory_space<vmem>> -> memref<1x32x512xf32, #tpu.memory_space<vmem>>
      %dma_start3A_312 = tpu.memref_squeeze %dma_start3A_311 : memref<1x32x512xf32, #tpu.memory_space<vmem>> -> memref<32x512xf32, #tpu.memory_space<vmem>>
      tpu.enqueue_dma source(%dma_start3A_312 : memref<32x512xf32, #tpu.memory_space<vmem>>) target(%dma_start3A_308 : memref<32x512xf32, #tpu.memory_space<hbm>>) target_semaphore(%arg18 : memref<!tpu.dma_semaphore, #tpu.memory_space<semaphore_mem>>)
    }
    %scan3A_32 = arith.constant 64 : i32
    %dma_wait3A = arith.constant 2 : i32
    %dma_wait3A_33 = arith.constant 0 : i32
    %dma_wait3A_34 = arith.constant 0 : i32
    %dma_wait3A_35 = tpu.memref_slice %arg8[%dma_wait3A, %dma_wait3A_33, %dma_wait3A_34] : memref<5x32x512xf32, #tpu.memory_space<vmem>> -> memref<1x32x512xf32, #tpu.memory_space<vmem>>
    %dma_wait3A_36 = tpu.memref_squeeze %dma_wait3A_35 : memref<1x32x512xf32, #tpu.memory_space<vmem>> -> memref<32x512xf32, #tpu.memory_space<vmem>>
    %dma_wait3A_37 = arith.constant 0 : i32
    %dma_wait3A_38 = tpu.memref_slice %arg5[%multiple_of3A, %dma_wait3A_37] : memref<327680x512xf32, #tpu.memory_space<hbm>> -> memref<32x512xf32, #tpu.memory_space<hbm>>
    %dma_wait3A_39 = arith.constant 0 : i32
    %dma_wait3A_40 = tpu.memref_slice %arg5[%multiple_of3A, %dma_wait3A_39] : memref<327680x512xf32, #tpu.memory_space<hbm>> -> memref<32x512xf32, #tpu.memory_space<hbm>>
    %dma_wait3A_41 = arith.constant 0 : i32
    %dma_wait3A_42 = arith.constant 0 : i32
    %dma_wait3A_43 = tpu.memref_slice %arg8[%dma_wait3A, %dma_wait3A_41, %dma_wait3A_42] : memref<5x32x512xf32, #tpu.memory_space<vmem>> -> memref<1x32x512xf32, #tpu.memory_space<vmem>>
    %dma_wait3A_44 = tpu.memref_squeeze %dma_wait3A_43 : memref<1x32x512xf32, #tpu.memory_space<vmem>> -> memref<32x512xf32, #tpu.memory_space<vmem>>
    tpu.wait_dma2 semaphore(%arg16 : memref<!tpu.dma_semaphore, #tpu.memory_space<semaphore_mem>>) src(%dma_wait3A_44 : memref<32x512xf32, #tpu.memory_space<vmem>>) dst(%dma_wait3A_40 : memref<32x512xf32, #tpu.memory_space<hbm>>)
    %dma_wait3A_45 = arith.constant 3 : i32
    %dma_wait3A_46 = arith.constant 0 : i32
    %dma_wait3A_47 = arith.constant 0 : i32
    %dma_wait3A_48 = tpu.memref_slice %arg8[%dma_wait3A_45, %dma_wait3A_46, %dma_wait3A_47] : memref<5x32x512xf32, #tpu.memory_space<vmem>> -> memref<1x32x512xf32, #tpu.memory_space<vmem>>
    %dma_wait3A_49 = tpu.memref_squeeze %dma_wait3A_48 : memref<1x32x512xf32, #tpu.memory_space<vmem>> -> memref<32x512xf32, #tpu.memory_space<vmem>>
    %dma_wait3A_50 = arith.constant 0 : i32
    %dma_wait3A_51 = tpu.memref_slice %arg5[%multiple_of3A, %dma_wait3A_50] : memref<327680x512xf32, #tpu.memory_space<hbm>> -> memref<32x512xf32, #tpu.memory_space<hbm>>
    %dma_wait3A_52 = arith.constant 0 : i32
    %dma_wait3A_53 = tpu.memref_slice %arg5[%multiple_of3A, %dma_wait3A_52] : memref<327680x512xf32, #tpu.memory_space<hbm>> -> memref<32x512xf32, #tpu.memory_space<hbm>>
    %dma_wait3A_54 = arith.constant 0 : i32
    %dma_wait3A_55 = arith.constant 0 : i32
    %dma_wait3A_56 = tpu.memref_slice %arg8[%dma_wait3A_45, %dma_wait3A_54, %dma_wait3A_55] : memref<5x32x512xf32, #tpu.memory_space<vmem>> -> memref<1x32x512xf32, #tpu.memory_space<vmem>>
    %dma_wait3A_57 = tpu.memref_squeeze %dma_wait3A_56 : memref<1x32x512xf32, #tpu.memory_space<vmem>> -> memref<32x512xf32, #tpu.memory_space<vmem>>
    tpu.wait_dma2 semaphore(%arg17 : memref<!tpu.dma_semaphore, #tpu.memory_space<semaphore_mem>>) src(%dma_wait3A_57 : memref<32x512xf32, #tpu.memory_space<vmem>>) dst(%dma_wait3A_53 : memref<32x512xf32, #tpu.memory_space<hbm>>)
    %dma_wait3A_58 = arith.constant 4 : i32
    %dma_wait3A_59 = arith.constant 0 : i32
    %dma_wait3A_60 = arith.constant 0 : i32
    %dma_wait3A_61 = tpu.memref_slice %arg8[%dma_wait3A_58, %dma_wait3A_59, %dma_wait3A_60] : memref<5x32x512xf32, #tpu.memory_space<vmem>> -> memref<1x32x512xf32, #tpu.memory_space<vmem>>
    %dma_wait3A_62 = tpu.memref_squeeze %dma_wait3A_61 : memref<1x32x512xf32, #tpu.memory_space<vmem>> -> memref<32x512xf32, #tpu.memory_space<vmem>>
    %dma_wait3A_63 = arith.constant 0 : i32
    %dma_wait3A_64 = tpu.memref_slice %arg5[%multiple_of3A, %dma_wait3A_63] : memref<327680x512xf32, #tpu.memory_space<hbm>> -> memref<32x512xf32, #tpu.memory_space<hbm>>
    %dma_wait3A_65 = arith.constant 0 : i32
    %dma_wait3A_66 = tpu.memref_slice %arg5[%multiple_of3A, %dma_wait3A_65] : memref<327680x512xf32, #tpu.memory_space<hbm>> -> memref<32x512xf32, #tpu.memory_space<hbm>>
    %dma_wait3A_67 = arith.constant 0 : i32
    %dma_wait3A_68 = arith.constant 0 : i32
    %dma_wait3A_69 = tpu.memref_slice %arg8[%dma_wait3A_58, %dma_wait3A_67, %dma_wait3A_68] : memref<5x32x512xf32, #tpu.memory_space<vmem>> -> memref<1x32x512xf32, #tpu.memory_space<vmem>>
    %dma_wait3A_70 = tpu.memref_squeeze %dma_wait3A_69 : memref<1x32x512xf32, #tpu.memory_space<vmem>> -> memref<32x512xf32, #tpu.memory_space<vmem>>
    tpu.wait_dma2 semaphore(%arg18 : memref<!tpu.dma_semaphore, #tpu.memory_space<semaphore_mem>>) src(%dma_wait3A_70 : memref<32x512xf32, #tpu.memory_space<vmem>>) dst(%dma_wait3A_66 : memref<32x512xf32, #tpu.memory_space<hbm>>)
    return
  }
}

module attributes {stable_mosaic.version = 14 : i64} {
  func.func @_table_body(%arg0: i32, %arg1: memref<2048x512xf32, #tpu.memory_space<vmem>>, %arg2: memref<2x512xf32, #tpu.memory_space<vmem>>, %arg3: memref<512x256xf32, #tpu.memory_space<vmem>>, %arg4: memref<512x256xf32, #tpu.memory_space<vmem>>, %arg5: memref<1x256xf32, #tpu.memory_space<vmem>>, %arg6: memref<256x512xf32, #tpu.memory_space<vmem>>, %arg7: memref<1x512xf32, #tpu.memory_space<vmem>>, %arg8: memref<2x2048x512xf32, #tpu.memory_space<vmem>>) attributes {dimension_semantics = [#tpu.dimension_semantics<arbitrary>], iteration_bounds = array<i64: 32>, scalar_prefetch = 0 : i64, scratch_operands = 0 : i64, tpu.core_type = #tpu.core_type<tc>, window_params = [{transform_indices = @transform_0, window_bounds = array<i64: 2048, 512>}, {pipeline_mode = #tpu.pipeline_mode<synchronous>, transform_indices = @transform_1, window_bounds = array<i64: 2, 512>}, {pipeline_mode = #tpu.pipeline_mode<synchronous>, transform_indices = @transform_2, window_bounds = array<i64: 512, 256>}, {pipeline_mode = #tpu.pipeline_mode<synchronous>, transform_indices = @transform_3, window_bounds = array<i64: 512, 256>}, {pipeline_mode = #tpu.pipeline_mode<synchronous>, transform_indices = @transform_4, window_bounds = array<i64: 1, 256>}, {pipeline_mode = #tpu.pipeline_mode<synchronous>, transform_indices = @transform_5, window_bounds = array<i64: 256, 512>}, {pipeline_mode = #tpu.pipeline_mode<synchronous>, transform_indices = @transform_6, window_bounds = array<i64: 1, 512>}, {transform_indices = @transform_7, window_bounds = array<i64: 2, 2048, 512>}]} {
    %get3A = arith.constant 0 : index
    %get3A_0 = arith.constant 0 : index
    %get3A_1 = vector.load %arg1[%get3A, %get3A_0] : memref<2048x512xf32, #tpu.memory_space<vmem>>, vector<2048x512xf32>
    %get3A_2 = arith.constant 0 : index
    %get3A_3 = arith.constant 0 : index
    %get3A_4 = vector.load %arg3[%get3A_2, %get3A_3] : memref<512x256xf32, #tpu.memory_space<vmem>>, vector<512x256xf32>
    %dot_general3A = arith.constant dense<0.000000e+00> : vector<2048x256xf32>
    %dot_general3A_5 = tpu.matmul %get3A_1, %get3A_4, %dot_general3A {dimension_numbers = #tpu.dot_dimension_numbers<[1], [0], [0], [1], [0, 0, 1, 1], [], []>, transpose_lhs_hint = false} : vector<2048x512xf32>, vector<512x256xf32>, vector<2048x256xf32> -> vector<2048x256xf32>
    %get3A_6 = arith.constant 0 : index
    %get3A_7 = arith.constant 0 : index
    %get3A_8 = vector.load %arg2[%get3A_6, %get3A_7] : memref<2x512xf32, #tpu.memory_space<vmem>>, vector<2x512xf32>
    %get3A_9 = arith.constant 0 : index
    %get3A_10 = arith.constant 0 : index
    %get3A_11 = vector.load %arg4[%get3A_9, %get3A_10] : memref<512x256xf32, #tpu.memory_space<vmem>>, vector<512x256xf32>
    %dot_general3A_12 = arith.constant dense<0.000000e+00> : vector<2x256xf32>
    %dot_general3A_13 = tpu.matmul %get3A_8, %get3A_11, %dot_general3A_12 {dimension_numbers = #tpu.dot_dimension_numbers<[1], [0], [0], [1], [0, 0, 1, 1], [], []>, transpose_lhs_hint = false} : vector<2x512xf32>, vector<512x256xf32>, vector<2x256xf32> -> vector<2x256xf32>
    %get3A_14 = arith.constant 0 : index
    %get3A_15 = arith.constant 0 : index
    %get3A_16 = vector.load %arg5[%get3A_14, %get3A_15] : memref<1x256xf32, #tpu.memory_space<vmem>>, vector<1x256xf32>
    %add3A = vector.broadcast %get3A_16 : vector<1x256xf32> to vector<2x256xf32>
    %add3A_17 = arith.addf %dot_general3A_13, %add3A : vector<2x256xf32>
    %slice3A = vector.extract_strided_slice %add3A_17 {offsets = [0, 0], sizes = [1, 256], strides = [1, 1]} : vector<2x256xf32> to vector<1x256xf32>
    %squeeze3A = vector.shape_cast %slice3A : vector<1x256xf32> to vector<256xf32>
    %broadcast_in_dim3A = vector.shape_cast %squeeze3A : vector<256xf32> to vector<1x256xf32>
    %add3A_18 = vector.broadcast %broadcast_in_dim3A : vector<1x256xf32> to vector<2048x256xf32>
    %add3A_19 = arith.addf %dot_general3A_5, %add3A_18 : vector<2048x256xf32>
    %mul3A = arith.constant 5.000000e-01 : f32
    %mul3A_20 = vector.broadcast %mul3A : f32 to vector<2048x256xf32>
    %mul3A_21 = arith.mulf %mul3A_20, %add3A_19 : vector<2048x256xf32>
    %mul3A_22 = arith.constant 0.707106769 : f32
    %mul3A_23 = vector.broadcast %mul3A_22 : f32 to vector<2048x256xf32>
    %mul3A_24 = arith.mulf %add3A_19, %mul3A_23 : vector<2048x256xf32>
    %erf3A = math.erf %mul3A_24 : vector<2048x256xf32>
    %add3A_25 = arith.constant 1.000000e+00 : f32
    %add3A_26 = vector.broadcast %add3A_25 : f32 to vector<2048x256xf32>
    %add3A_27 = arith.addf %add3A_26, %erf3A : vector<2048x256xf32>
    %mul3A_28 = arith.mulf %mul3A_21, %add3A_27 : vector<2048x256xf32>
    %get3A_29 = arith.constant 0 : index
    %get3A_30 = arith.constant 0 : index
    %get3A_31 = vector.load %arg6[%get3A_29, %get3A_30] : memref<256x512xf32, #tpu.memory_space<vmem>>, vector<256x512xf32>
    %dot_general3A_32 = arith.constant dense<0.000000e+00> : vector<2048x512xf32>
    %dot_general3A_33 = tpu.matmul %mul3A_28, %get3A_31, %dot_general3A_32 {dimension_numbers = #tpu.dot_dimension_numbers<[1], [0], [0], [1], [0, 0, 1, 1], [], []>, transpose_lhs_hint = false} : vector<2048x256xf32>, vector<256x512xf32>, vector<2048x512xf32> -> vector<2048x512xf32>
    %get3A_34 = arith.constant 0 : index
    %get3A_35 = arith.constant 0 : index
    %get3A_36 = vector.load %arg7[%get3A_34, %get3A_35] : memref<1x512xf32, #tpu.memory_space<vmem>>, vector<1x512xf32>
    %add3A_37 = vector.broadcast %get3A_36 : vector<1x512xf32> to vector<2048x512xf32>
    %add3A_38 = arith.addf %dot_general3A_33, %add3A_37 : vector<2048x512xf32>
    %swap3A = arith.constant 0 : index
    %swap3A_39 = arith.constant 0 : index
    %swap3A_40 = arith.constant 0 : index
    %swap3A_41 = vector.load %arg8[%swap3A, %swap3A_39, %swap3A_40] : memref<2x2048x512xf32, #tpu.memory_space<vmem>>, vector<1x2048x512xf32>
    %swap3A_42 = vector.shape_cast %swap3A_41 : vector<1x2048x512xf32> to vector<2048x512xf32>
    %swap3A_43 = vector.shape_cast %add3A_38 : vector<2048x512xf32> to vector<1x2048x512xf32>
    tpu.vector_store %arg8[%swap3A, %swap3A_39, %swap3A_40], %swap3A_43 {strides = array<i32>} : memref<2x2048x512xf32, #tpu.memory_space<vmem>>, vector<1x2048x512xf32>,
    %slice3A_44 = vector.extract_strided_slice %add3A_17 {offsets = [1, 0], sizes = [1, 256], strides = [1, 1]} : vector<2x256xf32> to vector<1x256xf32>
    %squeeze3A_45 = vector.shape_cast %slice3A_44 : vector<1x256xf32> to vector<256xf32>
    %broadcast_in_dim3A_46 = vector.shape_cast %squeeze3A_45 : vector<256xf32> to vector<1x256xf32>
    %add3A_47 = vector.broadcast %broadcast_in_dim3A_46 : vector<1x256xf32> to vector<2048x256xf32>
    %add3A_48 = arith.addf %dot_general3A_5, %add3A_47 : vector<2048x256xf32>
    %mul3A_49 = arith.constant 5.000000e-01 : f32
    %mul3A_50 = vector.broadcast %mul3A_49 : f32 to vector<2048x256xf32>
    %mul3A_51 = arith.mulf %mul3A_50, %add3A_48 : vector<2048x256xf32>
    %mul3A_52 = arith.constant 0.707106769 : f32
    %mul3A_53 = vector.broadcast %mul3A_52 : f32 to vector<2048x256xf32>
    %mul3A_54 = arith.mulf %add3A_48, %mul3A_53 : vector<2048x256xf32>
    %erf3A_55 = math.erf %mul3A_54 : vector<2048x256xf32>
    %add3A_56 = arith.constant 1.000000e+00 : f32
    %add3A_57 = vector.broadcast %add3A_56 : f32 to vector<2048x256xf32>
    %add3A_58 = arith.addf %add3A_57, %erf3A_55 : vector<2048x256xf32>
    %mul3A_59 = arith.mulf %mul3A_51, %add3A_58 : vector<2048x256xf32>
    %get3A_60 = arith.constant 0 : index
    %get3A_61 = arith.constant 0 : index
    %get3A_62 = vector.load %arg6[%get3A_60, %get3A_61] : memref<256x512xf32, #tpu.memory_space<vmem>>, vector<256x512xf32>
    %dot_general3A_63 = arith.constant dense<0.000000e+00> : vector<2048x512xf32>
    %dot_general3A_64 = tpu.matmul %mul3A_59, %get3A_62, %dot_general3A_63 {dimension_numbers = #tpu.dot_dimension_numbers<[1], [0], [0], [1], [0, 0, 1, 1], [], []>, transpose_lhs_hint = false} : vector<2048x256xf32>, vector<256x512xf32>, vector<2048x512xf32> -> vector<2048x512xf32>
    %get3A_65 = arith.constant 0 : index
    %get3A_66 = arith.constant 0 : index
    %get3A_67 = vector.load %arg7[%get3A_65, %get3A_66] : memref<1x512xf32, #tpu.memory_space<vmem>>, vector<1x512xf32>
    %add3A_68 = vector.broadcast %get3A_67 : vector<1x512xf32> to vector<2048x512xf32>
    %add3A_69 = arith.addf %dot_general3A_64, %add3A_68 : vector<2048x512xf32>
    %swap3A_70 = arith.constant 1 : index
    %swap3A_71 = arith.constant 0 : index
    %swap3A_72 = arith.constant 0 : index
    %swap3A_73 = vector.load %arg8[%swap3A_70, %swap3A_71, %swap3A_72] : memref<2x2048x512xf32, #tpu.memory_space<vmem>>, vector<1x2048x512xf32>
    %swap3A_74 = vector.shape_cast %swap3A_73 : vector<1x2048x512xf32> to vector<2048x512xf32>
    %swap3A_75 = vector.shape_cast %add3A_69 : vector<2048x512xf32> to vector<1x2048x512xf32>
    tpu.vector_store %arg8[%swap3A_70, %swap3A_71, %swap3A_72], %swap3A_75 {strides = array<i32>} : memref<2x2048x512xf32, #tpu.memory_space<vmem>>, vector<1x2048x512xf32>,
    return
  }
  func.func @transform_0(%arg0: i32) -> (i32, i32) {
    %c0_i32 = arith.constant 0 : i32
    %c0_i32_0 = arith.constant 0 : i32
    return %arg0, %c0_i32 : i32, i32
  }
  func.func @transform_1(%arg0: i32) -> (i32, i32) {
    %c0_i32 = arith.constant 0 : i32
    %c0_i32_0 = arith.constant 0 : i32
    %c0_i32_1 = arith.constant 0 : i32
    return %c0_i32, %c0_i32_0 : i32, i32
  }
  func.func @transform_2(%arg0: i32) -> (i32, i32) {
    %c0_i32 = arith.constant 0 : i32
    %c0_i32_0 = arith.constant 0 : i32
    %c0_i32_1 = arith.constant 0 : i32
    return %c0_i32, %c0_i32_0 : i32, i32
  }
  func.func @transform_3(%arg0: i32) -> (i32, i32) {
    %c0_i32 = arith.constant 0 : i32
    %c0_i32_0 = arith.constant 0 : i32
    %c0_i32_1 = arith.constant 0 : i32
    return %c0_i32, %c0_i32_0 : i32, i32
  }
  func.func @transform_4(%arg0: i32) -> (i32, i32) {
    %c0_i32 = arith.constant 0 : i32
    %c0_i32_0 = arith.constant 0 : i32
    %c0_i32_1 = arith.constant 0 : i32
    return %c0_i32, %c0_i32_0 : i32, i32
  }
  func.func @transform_5(%arg0: i32) -> (i32, i32) {
    %c0_i32 = arith.constant 0 : i32
    %c0_i32_0 = arith.constant 0 : i32
    %c0_i32_1 = arith.constant 0 : i32
    return %c0_i32, %c0_i32_0 : i32, i32
  }
  func.func @transform_6(%arg0: i32) -> (i32, i32) {
    %c0_i32 = arith.constant 0 : i32
    %c0_i32_0 = arith.constant 0 : i32
    %c0_i32_1 = arith.constant 0 : i32
    return %c0_i32, %c0_i32_0 : i32, i32
  }
  func.func @transform_7(%arg0: i32) -> (i32, i32, i32) {
    %c0_i32 = arith.constant 0 : i32
    %c0_i32_0 = arith.constant 0 : i32
    %c0_i32_1 = arith.constant 0 : i32
    return %c0_i32, %arg0, %c0_i32_0 : i32, i32, i32
  }
}

</mosaic_0001>

<sc_bundles>
// kernel: kernel.4.cloned.1.call-start
scs
__scs_entry_jumppad:
0x0: {  	(pc) =	sbr.rel $0x88, $3  }
0x1: {  	(tag) =	ssettag $0x0;
	lr =	simm.s32 $0x1  }
0x2: {  	[smem:$0x3F99] =	sst lr;
	_ =	strace $0xD0000000  }
0x3: {  	_ = 	snop  }
0x4: {  	_ = 	snop  }
0x5: {  	_ = 	snop  }
0x6: {  	_ = 	snop  }
0x7: {  	_ = 	snop  }
__scs_overlays_trampoline_lowered:
0x8: {  	[smem:$0x3FA8] =	sst s0  }
0x9: {  	[smem:$0x3FA9] =	sst s1  }
0xa: {  	[smem:$0x3FAA] =	sst s2  }
0xb: {  	[smem:$0x3FAB] =	sst s3  }
0xc: {  	[smem:$0x3FAC] =	sst s4  }
0xd: {  	[smem:$0x3FAD] =	sst s5  }
0xe: {  	[smem:$0x3FAE] =	sst s6  }
0xf: {  	[smem:$0x3FAF] =	sst s7  }
0x10: {  	[smem:$0x3FB0] =	sst s8  }
0x11: {  	[smem:$0x3FB1] =	sst s9;
	s0 =	simm.s32 @!p0 $0x0  }
0x12: {  	s1 =	sld [smem:$0x3F97];
	s0 =	simm.s32 @p0 $0x1  }
0x13: {  	[smem:$0x3FB2] =	sst s0;
	s0 =	simm.s32 @!p1 $0x0  }
0x14: {  	s2 =	sld [smem:$0x3F96];
	s0 =	simm.s32 @p1 $0x1  }
0x15: {  	[smem:$0x3FB3] =	sst s0;
	s0 =	simm.s32 @!p2 $0x0  }
0x16: {  	s3 =	sld [smem:$0x3FDB];
	s0 =	simm.s32 @p2 $0x1  }
0x17: {  	s4 =	simm.s32 $0x1BF5;
	[smem:$0x3FB5] =	sst s0  }
0x18: {  	s0 =	sld [smem:$0x3F98];
	_ =	swait.ge [sflag:s4], $0x0  }
0x19: {  	s7 =	sld [smem:$0x3F99]  }
0x1a: {  	s8 =	sadd.s32 $0xFFFFE003, lr  }
0x1b: {  	s9 =	sadd.s32 $0xFFFFFEF7, lr;
	s5 =	simm.s32 $0xFFFFFFFF;
	p2 =	slt.u32 s8, $0xFFFFF086  }
0x1c: {  	p1 =	slt.u32 s9, $0xF7A;
	s5 =	simm.s32 @!p2 $0x0  }
0x1d: {  	s5 =	simm.s32 @p1 $0x1;
	p0 =	seq.s32 s7, s2  }
0x1e: {  	s7 =	smul.u32 @!p0 $0xF7A, s2;
	p2 =	seq.s32 @!p0 s5, $0x0  }
0x1f: {  	s9 =	smul.u32 $0xF7A, s1;
	s8 =	simm.s32 @!p0 $0x1BF5;
	p2 =	por !p2, p0  }
0x20: {  	[sflag:s8] =	ssyncset.s32 @!p0 $0xFFFFF086;
	s6 =	sadd.s32 @!p0 s3, s7;
	s7 =	simm.s32 @!p0 $0x108  }
0x21: {  	s3 =	sadd.s32 s3, s9;
	s6 =	sadd.s32 @!p0 $0x88, s6;
	s7 =	simm.s32 @p2 $0x1082  }
0x22: {  	[simem:s7], [sflag:s8] =	dma.local @!p0 [hbm:s6], $0xF7A  }
0x23: {  	s9 =	sor.u32 $0xD0000000, s2;
	s6 =	simm.s32 $0x108;
	_ =	swait.ge @!p0 [sflag:s8], $0x0  }
0x24: {  	s3 =	sadd.s32 $0x88, s3;
	s6 =	simm.s32 @!p1 $0x1082;
	[sflag:s4] =	ssyncset.s32 $0xFFFFF086  }
0x25: {  	[simem:s6], [sflag:s4] =	dma.local [hbm:s3], $0xF7A  }
0x26: {  	[smem:$0x3F99] =	sst s1;
	(tag) =	ssettag s2;
	_ =	strace s9  }
0x27: {  	s1 =	sld [smem:$0x3FA9]  }
0x28: {  	s2 =	sld [smem:$0x3FAA]  }
0x29: {  	s4 =	sld [smem:$0x3FAC]  }
0x2a: {  	p0 =	seq.s32 s5, $0x0;
	s5 =	sld [smem:$0x3FAD]  }
0x2b: {  	s6 =	sld [smem:$0x3FAE]  }
0x2c: {  	s7 =	sld [smem:$0x3FAF]  }
0x2d: {  	s3 =	simm.s32 $0x108;
	s8 =	sld [smem:$0x3FB0]  }
0x2e: {  	s3 =	simm.s32 @!p0 $0x1082;
	s9 =	sld [smem:$0x3FB1]  }
0x2f: {  	lr =	sadd.s32 s0, s3;
	s0 =	sld [smem:$0x3FA8]  }
0x30: {  	s3 =	sld [smem:$0x3FAB]  }
0x31: {  	[smem:$0x3FB4] =	sst s10  }
0x32: {  	s10 =	sld [smem:$0x3FB2];
	_ =	sdelay $0x3  }
0x33: {  	p0 =	seq.s32 s10, $0x1;
	s10 =	sld [smem:$0x3FB4];
	_ =	sdelay $0x3  }
0x34: {  	[smem:$0x3FB4] =	sst s10  }
0x35: {  	s10 =	sld [smem:$0x3FB3];
	_ =	sdelay $0x3  }
0x36: {  	p1 =	seq.s32 s10, $0x1;
	s10 =	sld [smem:$0x3FB4];
	_ =	sdelay $0x3  }
0x37: {  	[smem:$0x3FB4] =	sst s10  }
0x38: {  	s10 =	sld [smem:$0x3FB5]  }
0x39: {  	_ = 	snop;
	(pc) =	sbr.ind lr, $3  }
0x3a: {  	_ = 	snop  }
0x3b: {  	_ = 	snop  }
0x3c: {  	p2 =	seq.s32 s10, $0x1;
	s10 =	sld [smem:$0x3FB4]  }
0x3d: {  	_ =	shalt  }
0x3e: {  	_ =	shalt  }
0x3f: {  	_ =	shalt  }
0x40: {  	_ =	shalt  }
0x41: {  	_ =	shalt  }
0x42: {  	_ =	shalt  }
0x43: {  	_ =	shalt  }
0x44: {  	_ =	shalt  }
0x45: {  	_ =	shalt  }
0x46: {  	_ =	shalt  }
0x47: {  	_ =	shalt  }
0x48: {  	_ =	shalt  }
0x49: {  	_ =	shalt  }
0x4a: {  	_ =	shalt  }
0x4b: {  	_ =	shalt  }
0x4c: {  	_ =	shalt  }
0x4d: {  	_ =	shalt  }
0x4e: {  	_ =	shalt  }
0x4f: {  	_ =	shalt  }
0x50: {  	_ =	shalt  }
0x51: {  	_ =	shalt  }
0x52: {  	_ =	shalt  }
0x53: {  	_ =	shalt  }
0x54: {  	_ =	shalt  }
0x55: {  	_ =	shalt  }
0x56: {  	_ =	shalt  }
0x57: {  	_ =	shalt  }
0x58: {  	_ =	shalt  }
0x59: {  	_ =	shalt  }
0x5a: {  	_ =	shalt  }
0x5b: {  	_ =	shalt  }
0x5c: {  	_ =	shalt  }
0x5d: {  	_ =	shalt  }
0x5e: {  	_ =	shalt  }
0x5f: {  	_ =	shalt  }
0x60: {  	_ =	shalt  }
0x61: {  	_ =	shalt  }
0x62: {  	_ =	shalt  }
0x63: {  	_ =	shalt  }
0x64: {  	_ =	shalt  }
0x65: {  	_ =	shalt  }
0x66: {  	_ =	shalt  }
0x67: {  	_ =	shalt  }
0x68: {  	_ =	shalt  }
0x69: {  	_ =	shalt  }
0x6a: {  	_ =	shalt  }
0x6b: {  	_ =	shalt  }
0x6c: {  	_ =	shalt  }
0x6d: {  	_ =	shalt  }
0x6e: {  	_ =	shalt  }
0x6f: {  	_ =	shalt  }
0x70: {  	_ =	shalt  }
0x71: {  	_ =	shalt  }
0x72: {  	_ =	shalt  }
0x73: {  	_ =	shalt  }
0x74: {  	_ =	shalt  }
0x75: {  	_ =	shalt  }
0x76: {  	_ =	shalt  }
0x77: {  	_ =	shalt  }
0x78: {  	_ =	shalt  }
0x79: {  	_ =	shalt  }
0x7a: {  	_ =	shalt  }
0x7b: {  	_ =	shalt  }
0x7c: {  	_ =	shalt  }
0x7d: {  	_ =	shalt  }
0x7e: {  	_ =	shalt  }
0x7f: {  	_ =	shalt  }
0x80: {  	_ =	shalt  }
0x81: {  	_ =	shalt  }
0x82: {  	_ =	shalt  }
0x83: {  	_ =	shalt  }
0x84: {  	_ =	shalt  }
0x85: {  	_ =	shalt  }
0x86: {  	_ =	shalt  }
0x87: {  	_ =	shalt  }
.Lfunc_end0:
.L_simem_size_0:
called_computation_lowered:
.L_overlay_start_0:
0x88: {  	s2 =	sld [smem:$0x3FD9]  }
0x89: {  	s3 =	sld [smem:$0x3FFE];
	_ =	sdelay $0x1  }
0x8a: {  	s1 =	srdreg.scid  }
0x8b: {  	s0 =	sand.u32 $0x1, s1  }
0x8c: {  	s17 =	sshll.u32 s0, $0xA;
	s2 =	sadd.s32 s3, s2  }
0x8d: {  	s2 =	sadd.s32 s2, s17  }
0x8e: {  	[smem:$0x3FC0] =	sst s2  }
0x8f: {  	_ = 	snop  }
0x90: {  	s2 =	sld [smem:$0x3FD0];
	(tm) =	ssettm $0x1  }
0x91: {  	s18 =	sld [smem:$0x3FFB];
	_ =	sdelay $0x3  }
0x92: {  	_ =	strace s18  }
0x93: {  	s3 =	sld [smem:$0x3FFC];
	_ =	sdelay $0x3  }
0x94: {  	_ =	strace s3  }
0x95: {  	s3 =	sld [smem:$0x3FFD];
	_ =	sdelay $0x3  }
0x96: {  	_ =	strace s3  }
0x97: {  	_ =	strace $0x8FFFFFFF  }
0x98: {  	s19 =	sld [smem:$0x3FDB];
	_ =	sdelay $0x1  }
0x99: {  	s4 =	simm.s32 $_scs_section_size  }
0x9a: {  	s5 =	simm.s32 $_size__tile_overlayer_lowered;
	s6 =	simm.s32 $_tile_overlayer_lowered  }
0x9b: {  	s22 =	simm.s32 $0x1BFF;
	s21 =	sshll.u32 s6, $0x1;
	s3 =	sadd.s32 s4, s19  }
0x9c: {  	s7 =	simm.s32 $0x0;
	s20 =	sshll.u32 s5, $0x1;
	s5 =	sadd.s32 s21, s3  }
0x9d: {  	[timem:s7], [sflag:s22] =	dma.local [hbm:s5], s20  }
0x9e: {  	_ =	swait.ge [sflag:s22], s20  }
0x9f: {  	s4 =	ssub.s32 $0x0, s20;
	[sflag:s22] =	ssyncset.done $0x0  }
0xa0: {  	[sflag:s22] =	ssyncadd.s32 s4;
	_ =	sdelay $0x1  }
0xa1: {  	s23 =	simm.s32 $0x1B8B  }
0xa2: {  	_ =	swait.ge [sflag:s23], $0x1  }
0xa3: {  	[sflag:s23] =	ssyncset.done $0x0  }
0xa4: {  	s25 =	simm.s32 $0x1B8E;
	s24 =	sld [smem:$0x3FFE];
	[sflag:s23] =	ssyncadd.s32 $0xFFFFFFFF  }
0xa5: {  	s26 =	simm.s32 $execute0_lowered;
	[smem:$0x3FD2] =	sst s25  }
0xa6: {  	s5 =	sshll.u32 s26, $0x1;
	_ =	strace $0x80000046;
	[dreg:$0x1] =	wrdreg $0xFFFFFFFF  }
0xa7: {  	s28 =	simm.s32 $_size_execute0_lowered;
	s3 =	sadd.s32 s3, s5;
	[dreg:$0x0] =	wrdreg $0x0  }
0xa8: {  	s5 =	sshll.u32 s28, $0x1;
	[dreg:$0x2] =	wrdreg s3  }
0xa9: {  	[dreg:$0x3] =	wrdreg s5  }
0xaa: {  	[dreg:$0x4] =	wrdreg $0xC0  }
0xab: {  	_ =	task [dreg:s7], $0x5FFFF  }
0xac: {  	[dreg:$0x1] =	wrdreg $0xFFFFFFFF  }
0xad: {  	[dreg:$0x0] =	wrdreg $0x60  }
0xae: {  	[dreg:$0x2] =	wrdreg s24  }
0xaf: {  	[dreg:$0x3] =	wrdreg s2  }
0xb0: {  	[dreg:$0x4] =	wrdreg $0x9  }
0xb1: {  	_ =	task.clear_ibuf [dreg:s7], $0x5FFFF;
	_ =	strace $0x90000046  }
0xb2: {  	s29 =	simm.s32 $0x9;
	_ =	strace $0x80000048  }
0xb3: {  	_ =	swait.ge [sflag:s29], $0x1  }
0xb4: {  	[sflag:s29] =	ssyncadd.s32 $0xFFFFFFFF  }
0xb5: {  	_ =	strace $0x90000048  }
0xb6: {  	_ =	sfence  }
0xb7: {  	s30 =	sld [smem:$0x0];
	_ =	sdelay $0x2  }
0xb8: {  	s31 =	sshll.u32 s1, $0xD;
	s1 =	sshrl.u32 s1, $0x2  }
0xb9: {  	s3 =	sand.u32 $0x4000, s31;
	s1 =	sadd.s32 s1, s30  }
0xba: {  	s0 =	sor.u32 s3, s0;
	s1 =	sshll.u32 s1, $0x11  }
0xbb: {  	s0 =	sor.u32 s1, s0  }
0xbc: {  	s0 =	sadd.s32 $0x8F2B, s0  }
0xbd: {  	[sflag:s0] =	ssyncadd.remote.s32 $0x1  }
0xbe: {  	_ =	sfence.sel $0xFFFF  }
0xbf: {  	[dreg:$0x0] =	wrdreg $0xFFFFFFFF;
	(pc) =	sbr.abs _section_cstart, $3  }
0xc0: {  	[dreg:$0x1] =	wrdreg $0xFFFFFFFF  }
0xc1: {  	_ =	task.clear_ibuf [dreg:s7], $0x2FFFF;
	_ =	strace $0x9FFFFFFF  }
0xc2: {  	(tm) =	ssettm $0x7FFFFFFF  }
0xc3: {  	_ =	shalt  }
tec
execute0_lowered:
.L_overlay_start_1:
0x0: {  	(tag) =	ssettag $0x1  }
0x1: {  	s0 =	srdreg.scid;
	s1 =	rddreg [dreg:$0x0]  }
0x2: {  	s8 =	stileid.u32;
	s4 =	rddreg [dreg:$0x1]  }
0x3: {  	s2 =	simm.s32 $0x0;
	s26 =	simm.s32 $0xD800;
	s10 =	simm.s32 $0xF800  }
0x4: {  	s11 =	simm.s32 $0x10000;
	s12 =	simm.s32 $0x10800;
	[smem:$0x7FF] =	sst s2  }
0x5: {  	s13 =	simm.s32 $0x11800;
	_ =	strace $0x80000047;
	[dreg:$0x7] =	wrdreg s26  }
0x6: {  	s14 =	simm.s32 $0x12000;
	s15 =	simm.s32 $0x12800;
	[dreg:$0xb] =	wrdreg s10  }
0x7: {  	s16 =	simm.s32 $0x13000;
	s17 =	simm.s32 $0x13800;
	[dreg:$0xc] =	wrdreg s11  }
0x8: {  	s18 =	simm.s32 $0x14000;
	s19 =	simm.s32 $0x14800;
	[dreg:$0xd] =	wrdreg s12  }
0x9: {  	s20 =	simm.s32 $0x15800;
	s21 =	simm.s32 $0x16000;
	[dreg:$0xe] =	wrdreg s13  }
0xa: {  	s28 =	simm.s32 $0x1;
	s29 =	simm.s32 $0x11000;
	[dreg:$0xf] =	wrdreg s14  }
0xb: {  	s30 =	simm.s32 $0x2;
	s31 =	simm.s32 $0x15000;
	[dreg:$0x10] =	wrdreg s15  }
0xc: {  	s0 =	sand.u32 $0x1, s0;
	s3 =	smul.u32 $0xA00000, s8;
	[dreg:$0x11] =	wrdreg s16  }
0xd: {  	s5 =	sshll.u32 s8, $0x1;
	s8 =	smul.u32 $0x140000, s8;
	[dreg:$0x12] =	wrdreg s17  }
0xe: {  	s6 =	smul.u32 $0x500000, s0;
	s5 =	sor.u32 s0, s5;
	[dreg:$0x13] =	wrdreg s18  }
0xf: {  	s9 =	smul.u32 $0xA0000, s0;
	s0 =	ssub.s32 $0x2, s0;
	[dreg:$0x14] =	wrdreg s19  }
0x10: {  	s10 =	simm.s32 $0x5000;
	[dreg:$0x15] =	wrdreg s20;
	s18 =	simm.s32 $0x9000  }
0x11: {  	[dreg:$0x16] =	wrdreg s21;
	s26 =	simm.s32 $0x18800;
	s11 =	simm.s32 $0x7  }
0x12: {  	s12 =	simm.s32 $0x5;
	s13 =	simm.s32 $0x8;
	s14 =	simm.s32 $0x9  }
0x13: {  	s15 =	simm.s32 $0xA;
	s16 =	simm.s32 $0x0;
	s5 =	smul.u32 $0x2800, s5  }
0x14: {  	s22 =	sadd.s32 s8, s4;
	s25 =	sshrl.u32 s0, $0x1;
	[dreg:$0x1b] =	wrdreg s26  }
0x15: {  	s26 =	simm.s32 $0xD000;
	s6 =	sadd.s32 s6, s3;
	s3 =	sadd.s32 $0x15200, s1  }
0x16: {  	s0 =	ssub.s32 s0, s25;
	s25 =	simm.s32 $0x18000;
	s7 =	sor.u32 $0x8000, s6  }
0x17: {  	s5 =	sshrl.u32 s5, $0x3;
	s23 =	sor.u32 $0x10000, s6;
	s6 =	sor.u32 $0xC000, s6  }
0x18: {  	[dreg:$0x1a] =	wrdreg s25;
	s25 =	simm.s32 $0xC800;
	s7 =	sshrl.u32 s7, $0x3  }
0x19: {  	s5 =	sadd.s32 s5, s1;
	s8 =	sshrl.u32 s23, $0x3;
	s23 =	simm.s32 $0x17000  }
0x1a: {  	s6 =	sshrl.u32 s6, $0x3;
	s7 =	sadd.s32 s7, s4;
	[dreg:$0x18] =	wrdreg s23  }
0x1b: {  	s24 =	sadd.s32 s8, s4;
	s4 =	sadd.s32 s6, s4;
	[dreg:$0x3] =	wrdreg s7  }
0x1c: {  	s8 =	simm.s32 $0xE800;
	s6 =	sadd.s32 $0x15300, s1;
	[dreg:$0x5] =	wrdreg s24  }
0x1d: {  	s23 =	simm.s32 $0xB800;
	s1 =	simm.s32 $0x3;
	[dreg:$0x6] =	wrdreg s4  }
0x1e: {  	s7 =	sadd.s32 s9, s22;
	s4 =	sadd.s32 $0x1200, s5;
	[dreg:$0x9] =	wrdreg s8  }
0x1f: {  	s5 =	sadd.s32 $0xB200, s5;
	s9 =	simm.s32 $0xF000;
	[dreg:$0x4] =	wrdreg s7  }
0x20: {  	s8 =	simm.s32 $0xB;
	s22 =	simm.s32 $0x16800;
	[dreg:$0xa] =	wrdreg s9  }
0x21: {  	v2 =	vlaneseq.u32;
	s24 =	simm.s32 $0x17800;
	s7 =	simm.s32 $0xE000;
	[dreg:$0x17] =	wrdreg s22  }
0x22: {  	vm0 =	vmmov $0xffff;
	v1 =	vshrl.u32 v2, $0x3;
	[dreg:$0x19] =	wrdreg s24;
	s24 =	simm.s32 $0xC000;
	s9 =	simm.s32 $0x4  }
0x23: {  	v0 =	vand.u32 $0x7, v2;
	v2 =	vor.u32 $0x8, v2;
	v1 =	vmul.u32 $0x8, v1;
	[dreg:$0x8] =	wrdreg s7;
	s7 =	smax.u32 s0, $0x1;
	s0 =	simm.s32 $0x6  }
.LBB2_1:
0x24: {  	[tilespmem:s2], [sflag:$0xB] =	stream.linear.gather [hbm4b:s4+s2], $0x2800, $0x38;
	[tilespmem:$0x19000] =	vst v63  }
0x25: {  	_ =	swait.ge [sflag:s8], $0x2800  }
0x26: {  	[sflag:s8] =	ssyncset.done $0x0  }
0x27: {  	s17 =	simm.s32 $0x2800;
	[sflag:s8] =	ssyncadd.s32 $0xFFFFD800  }
0x28: {  	[tilespmem:s17], [sflag:$0xB] =	stream.linear.gather [hbm4b:s5+s2], $0x2800, $0x38;
	[tilespmem:$0x19000] =	vst v63  }
0x29: {  	_ =	swait.ge [sflag:s8], $0x2800  }
0x2a: {  	[sflag:s8] =	ssyncset.done $0x0  }
0x2b: {  	s17 =	simm.s32 $0x0;
	[sflag:s8] =	ssyncadd.s32 $0xFFFFD800  }
0x2c: {  	v3 =	vld [tilespmem:s17+$0x2800]  }
0x2d: {  	v4 =	vld [tilespmem:s17+$0x0];
	_ =	sdelay $0x3  }
0x2e: {  	v3 =	vshll.u32 v3, $0x10  }
0x2f: {  	s20 =	simm.s32 $0x10;
	s19 =	simm.s32 $0x80;
	v3 =	vadd.s32 v4, v3  }
.LBB2_2:
0x30: {  	p0 =	sne.s32 s19, $0x9FC0;
	v4 =	vld [tilespmem:s20+$0x2800];
	[tilespmem:s17+$0x0] =	vst v3;
	s17 =	smov.u32 s20  }
0x31: {  	v3 =	vld [tilespmem:s17+$0x0]  }
.Ltmp0:
0x32: {  	(pc) =	sbr.rel @p0 .LBB2_2-.Ltmp0, $3  }
0x33: {  	_ =	sdelay $0x1  }
0x34: {  	v4 =	vshll.u32 v4, $0x10  }
0x35: {  	s20 =	sshra.s32 s19, $0x2;
	s19 =	sadd.s32 $0x40, s19;
	v3 =	vadd.s32 v3, v4  }
0x36: {  	v4 =	vld [tilespmem:s20+$0x2800];
	[tilespmem:s17+$0x0] =	vst v3  }
0x37: {  	v3 =	vld [tilespmem:s20+$0x0];
	_ =	sdelay $0x3  }
0x38: {  	v4 =	vshll.u32 v4, $0x10  }
0x39: {  	v3 =	vadd.s32 v3, v4  }
0x3a: {  	[tilespmem:s20+$0x0] =	vst v3  }
0x3b: {  	v3 =	vld [tilespmem:$0x0];
	_ =	sdelay $0x4  }
0x3c: {  	v60 =	vshll.u32 v3, $0x2  }
0x3d: {  	v3 =	vand.u32 $0x7, v3;
	v4 =	vand.u32 $0xFFFFFFE0, v60  }
0x3e: {  	v3 =	vor.u32 v3, v4  }
0x3f: {  	v4 =	vperm.xlane v3, v0;
	_ =	sdelay $0x1  }
0x40: {  	v4 =	vadd.s32 v1, v4;
	_ =	sdelay $0x1  }
0x41: {  	v3 =	vperm.xlane v3, v2;
	_ =	sdelay $0x1  }
0x42: {  	s17 =	simm.s32 $0x0;
	v3 =	vadd.s32 v1, v3  }
0x43: {  	[tilespmem:s10], [sflag:$0x1] =	stream.indirect_vreg.gather [hbm4b:s3+s17], $0x80, v4, vm0, $0xb8;
	[tilespmem:$0x19000] =	vst v63  }
0x44: {  	s19 =	simm.s32 $0x5800  }
0x45: {  	[tilespmem:s19], [sflag:$0x1] =	stream.indirect_vreg.gather [hbm4b:s6+s17], $0x80, v4, vm0, $0xb8;
	[tilespmem:$0x19000] =	vst v63  }
0x46: {  	s22 =	simm.s32 $0x6000  }
0x47: {  	[tilespmem:s22], [sflag:$0x1] =	stream.indirect_vreg.gather [hbm4b:s3+s17], $0x80, v3, vm0, $0xb8;
	[tilespmem:$0x19000] =	vst v63  }
0x48: {  	s20 =	simm.s32 $0x6800  }
0x49: {  	[tilespmem:s20], [sflag:$0x1] =	stream.indirect_vreg.gather [hbm4b:s6+s17], $0x80, v3, vm0, $0xb8;
	[tilespmem:$0x19000] =	vst v63  }
0x4a: {  	v3 =	vld [tilespmem:$0x10];
	_ =	sdelay $0x4  }
0x4b: {  	v61 =	vshll.u32 v3, $0x2  }
0x4c: {  	v3 =	vand.u32 $0x7, v3;
	v4 =	vand.u32 $0xFFFFFFE0, v61  }
0x4d: {  	v3 =	vor.u32 v3, v4  }
0x4e: {  	v4 =	vperm.xlane v3, v0;
	_ =	sdelay $0x1  }
0x4f: {  	v4 =	vadd.s32 v1, v4;
	_ =	sdelay $0x1  }
0x50: {  	v3 =	vperm.xlane v3, v2;
	_ =	sdelay $0x1  }
0x51: {  	s21 =	simm.s32 $0x7000;
	v3 =	vadd.s32 v1, v3  }
0x52: {  	[tilespmem:s21], [sflag:$0x1] =	stream.indirect_vreg.gather [hbm4b:s3+s17], $0x80, v4, vm0, $0xb8;
	[tilespmem:$0x19000] =	vst v63  }
0x53: {  	s22 =	simm.s32 $0x7800  }
0x54: {  	[tilespmem:s22], [sflag:$0x1] =	stream.indirect_vreg.gather [hbm4b:s6+s17], $0x80, v4, vm0, $0xb8;
	[tilespmem:$0x19000] =	vst v63  }
0x55: {  	s20 =	simm.s32 $0x8000  }
0x56: {  	[tilespmem:s20], [sflag:$0x1] =	stream.indirect_vreg.gather [hbm4b:s3+s17], $0x80, v3, vm0, $0xb8;
	[tilespmem:$0x19000] =	vst v63  }
0x57: {  	s21 =	simm.s32 $0x8800  }
0x58: {  	[tilespmem:s21], [sflag:$0x1] =	stream.indirect_vreg.gather [hbm4b:s6+s17], $0x80, v3, vm0, $0xb8;
	[tilespmem:$0x19000] =	vst v63  }
0x59: {  	v3 =	vld [tilespmem:$0x20];
	_ =	sdelay $0x4  }
0x5a: {  	v62 =	vshll.u32 v3, $0x2  }
0x5b: {  	v3 =	vand.u32 $0x7, v3;
	v4 =	vand.u32 $0xFFFFFFE0, v62  }
0x5c: {  	v3 =	vor.u32 v3, v4  }
0x5d: {  	v4 =	vperm.xlane v3, v0;
	_ =	sdelay $0x1  }
0x5e: {  	v4 =	vadd.s32 v1, v4;
	_ =	sdelay $0x1  }
0x5f: {  	v3 =	vperm.xlane v3, v2;
	_ =	sdelay $0x1  }
0x60: {  	v3 =	vadd.s32 v1, v3  }
0x61: {  	[tilespmem:s18], [sflag:$0x2] =	stream.indirect_vreg.gather [hbm4b:s3+s17], $0x80, v4, vm0, $0xb8;
	[tilespmem:$0x19000] =	vst v63  }
0x62: {  	s22 =	simm.s32 $0x9800  }
0x63: {  	[tilespmem:s22], [sflag:$0x2] =	stream.indirect_vreg.gather [hbm4b:s6+s17], $0x80, v4, vm0, $0xb8;
	[tilespmem:$0x19000] =	vst v63  }
0x64: {  	s20 =	simm.s32 $0xA000  }
0x65: {  	[tilespmem:s20], [sflag:$0x2] =	stream.indirect_vreg.gather [hbm4b:s3+s17], $0x80, v3, vm0, $0xb8;
	[tilespmem:$0x19000] =	vst v63  }
0x66: {  	s21 =	simm.s32 $0xA800  }
0x67: {  	[tilespmem:s21], [sflag:$0x2] =	stream.indirect_vreg.gather [hbm4b:s6+s17], $0x80, v3, vm0, $0xb8;
	[tilespmem:$0x19000] =	vst v63  }
0x68: {  	v3 =	vld [tilespmem:$0x30];
	_ =	sdelay $0x4  }
0x69: {  	v63 =	vshll.u32 v3, $0x2  }
0x6a: {  	v3 =	vand.u32 $0x7, v3;
	v4 =	vand.u32 $0xFFFFFFE0, v63  }
0x6b: {  	v3 =	vor.u32 v3, v4  }
0x6c: {  	v4 =	vperm.xlane v3, v0;
	_ =	sdelay $0x1  }
0x6d: {  	v4 =	vadd.s32 v1, v4;
	_ =	sdelay $0x1  }
0x6e: {  	v3 =	vperm.xlane v3, v2;
	_ =	sdelay $0x1  }
0x6f: {  	s22 =	simm.s32 $0xB000;
	v3 =	vadd.s32 v1, v3  }
0x70: {  	[tilespmem:s22], [sflag:$0x2] =	stream.indirect_vreg.gather [hbm4b:s3+s17], $0x80, v4, vm0, $0xb8;
	[tilespmem:$0x19000] =	vst v63  }
0x71: {  	_ = 	snop  }
0x72: {  	[tilespmem:s23], [sflag:$0x2] =	stream.indirect_vreg.gather [hbm4b:s6+s17], $0x80, v4, vm0, $0xb8;
	[tilespmem:$0x19000] =	vst v63  }
0x73: {  	_ = 	snop  }
0x74: {  	[tilespmem:s24], [sflag:$0x2] =	stream.indirect_vreg.gather [hbm4b:s3+s17], $0x80, v3, vm0, $0xb8;
	[tilespmem:$0x19000] =	vst v63  }
0x75: {  	s19 =	simm.s32 $0x70  }
0x76: {  	[tilespmem:s25], [sflag:$0x2] =	stream.indirect_vreg.gather [hbm4b:s6+s17], $0x80, v3, vm0, $0xb8;
	[tilespmem:$0x19000] =	vst v63  }
.LBB2_4:
0x77: {  	p0 =	seq.s32 s17, $0x0  }
0x78: {  	s20 =	simm.s32 @!p0 $0x8  }
0x79: {  	_ =	swait.ge @!p0 [sflag:s20], $0x4000  }
0x7a: {  	[sflag:s20] =	ssyncset.done @!p0 $0x0  }
0x7b: {  	[sflag:s20] =	ssyncadd.s32 @!p0 $0xFFFFC000  }
0x7c: {  	v3 =	vld [tilespmem:s19+$0xFFFFFFD0];
	_ =	sdelay $0x4  }
0x7d: {  	v4 =	vshll.u32 v3, $0x2  }
0x7e: {  	v3 =	vand.u32 $0x7, v3;
	v4 =	vand.u32 $0xFFFFFFE0, v4  }
0x7f: {  	v3 =	vor.u32 v3, v4  }
0x80: {  	v4 =	vperm.xlane v3, v0;
	_ =	sdelay $0x1  }
0x81: {  	v4 =	vadd.s32 v1, v4;
	_ =	sdelay $0x1  }
0x82: {  	v3 =	vperm.xlane v3, v2;
	_ =	sdelay $0x1  }
0x83: {  	v3 =	vadd.s32 v1, v3  }
0x84: {  	[tilespmem:s26], [sflag:$0x3] =	stream.indirect_vreg.gather [hbm4b:s3+s2], $0x80, v4, vm0, $0xb8;
	[tilespmem:$0x19000] =	vst v63  }
0x85: {  	s22 =	rddreg [dreg:$0x7]  }
0x86: {  	[tilespmem:s22], [sflag:$0x3] =	stream.indirect_vreg.gather [hbm4b:s6+s2], $0x80, v4, vm0, $0xb8;
	[tilespmem:$0x19000] =	vst v63  }
0x87: {  	s21 =	rddreg [dreg:$0x8]  }
0x88: {  	[tilespmem:s21], [sflag:$0x3] =	stream.indirect_vreg.gather [hbm4b:s3+s2], $0x80, v3, vm0, $0xb8;
	[tilespmem:$0x19000] =	vst v63  }
0x89: {  	s22 =	rddreg [dreg:$0x9]  }
0x8a: {  	[tilespmem:s22], [sflag:$0x3] =	stream.indirect_vreg.gather [hbm4b:s6+s2], $0x80, v3, vm0, $0xb8;
	[tilespmem:$0x19000] =	vst v63  }
0x8b: {  	v3 =	vld [tilespmem:s19+$0xFFFFFFE0];
	_ =	sdelay $0x4  }
0x8c: {  	v59 =	vshll.u32 v3, $0x2  }
0x8d: {  	v3 =	vand.u32 $0x7, v3;
	v4 =	vand.u32 $0xFFFFFFE0, v59  }
0x8e: {  	v3 =	vor.u32 v3, v4  }
0x8f: {  	v4 =	vperm.xlane v3, v0;
	_ =	sdelay $0x1  }
0x90: {  	v4 =	vadd.s32 v1, v4;
	_ =	sdelay $0x1  }
0x91: {  	v3 =	vperm.xlane v3, v2;
	_ =	sdelay $0x1  }
0x92: {  	s21 =	rddreg [dreg:$0xa];
	v3 =	vadd.s32 v1, v3  }
0x93: {  	[tilespmem:s21], [sflag:$0x3] =	stream.indirect_vreg.gather [hbm4b:s3+s2], $0x80, v4, vm0, $0xb8;
	[tilespmem:$0x19000] =	vst v63  }
0x94: {  	s22 =	rddreg [dreg:$0xb]  }
0x95: {  	[tilespmem:s22], [sflag:$0x3] =	stream.indirect_vreg.gather [hbm4b:s6+s2], $0x80, v4, vm0, $0xb8;
	[tilespmem:$0x19000] =	vst v63  }
0x96: {  	s20 =	rddreg [dreg:$0xc]  }
0x97: {  	[tilespmem:s20], [sflag:$0x3] =	stream.indirect_vreg.gather [hbm4b:s3+s2], $0x80, v3, vm0, $0xb8;
	[tilespmem:$0x19000] =	vst v63  }
0x98: {  	s22 =	rddreg [dreg:$0xd]  }
0x99: {  	[tilespmem:s22], [sflag:$0x3] =	stream.indirect_vreg.gather [hbm4b:s6+s2], $0x80, v3, vm0, $0xb8;
	[tilespmem:$0x19000] =	vst v63  }
0x9a: {  	_ =	swait.ge [sflag:s28], $0x4000  }
0x9b: {  	s21 =	rddreg [dreg:$0x4];
	[sflag:s28] =	ssyncset.done $0x0  }
0x9c: {  	[sflag:s28] =	ssyncadd.s32 $0xFFFFC000;
	s20 =	sadd.s32 s17, s21;
	s21 =	simm.s32 @!p0 $0x9  }
0x9d: {  	[hbm4b:s20+s2] =	stream.linear.scatter [tilespmem:s10], [sflag:$0x6], $0x4000, $0x38;
	[tilespmem:$0x19000] =	vst v63  }
0x9e: {  	_ =	swait.ge @!p0 [sflag:s21], $0x4000  }
0x9f: {  	[sflag:s21] =	ssyncset.done @!p0 $0x0  }
0xa0: {  	[sflag:s21] =	ssyncadd.s32 @!p0 $0xFFFFC000  }
0xa1: {  	v3 =	vld [tilespmem:s19+$0xFFFFFFF0];
	_ =	sdelay $0x4  }
0xa2: {  	v60 =	vshll.u32 v3, $0x2  }
0xa3: {  	v3 =	vand.u32 $0x7, v3;
	v4 =	vand.u32 $0xFFFFFFE0, v60  }
0xa4: {  	v3 =	vor.u32 v3, v4  }
0xa5: {  	v4 =	vperm.xlane v3, v0;
	_ =	sdelay $0x1  }
0xa6: {  	v4 =	vadd.s32 v1, v4;
	_ =	sdelay $0x1  }
0xa7: {  	v3 =	vperm.xlane v3, v2;
	_ =	sdelay $0x1  }
0xa8: {  	v3 =	vadd.s32 v1, v3  }
0xa9: {  	[tilespmem:s29], [sflag:$0x4] =	stream.indirect_vreg.gather [hbm4b:s3+s2], $0x80, v4, vm0, $0xb8;
	[tilespmem:$0x19000] =	vst v63  }
0xaa: {  	s21 =	rddreg [dreg:$0xe]  }
0xab: {  	[tilespmem:s21], [sflag:$0x4] =	stream.indirect_vreg.gather [hbm4b:s6+s2], $0x80, v4, vm0, $0xb8;
	[tilespmem:$0x19000] =	vst v63  }
0xac: {  	s22 =	rddreg [dreg:$0xf]  }
0xad: {  	[tilespmem:s22], [sflag:$0x4] =	stream.indirect_vreg.gather [hbm4b:s3+s2], $0x80, v3, vm0, $0xb8;
	[tilespmem:$0x19000] =	vst v63  }
0xae: {  	s21 =	rddreg [dreg:$0x10]  }
0xaf: {  	[tilespmem:s21], [sflag:$0x4] =	stream.indirect_vreg.gather [hbm4b:s6+s2], $0x80, v3, vm0, $0xb8;
	[tilespmem:$0x19000] =	vst v63  }
0xb0: {  	v3 =	vld [tilespmem:s19+$0x0];
	_ =	sdelay $0x4  }
0xb1: {  	v61 =	vshll.u32 v3, $0x2  }
0xb2: {  	v3 =	vand.u32 $0x7, v3;
	v4 =	vand.u32 $0xFFFFFFE0, v61  }
0xb3: {  	v3 =	vor.u32 v3, v4  }
0xb4: {  	v4 =	vperm.xlane v3, v0;
	_ =	sdelay $0x1  }
0xb5: {  	v4 =	vadd.s32 v1, v4;
	_ =	sdelay $0x1  }
0xb6: {  	v3 =	vperm.xlane v3, v2;
	_ =	sdelay $0x1  }
0xb7: {  	s21 =	rddreg [dreg:$0x11];
	v3 =	vadd.s32 v1, v3  }
0xb8: {  	[tilespmem:s21], [sflag:$0x4] =	stream.indirect_vreg.gather [hbm4b:s3+s2], $0x80, v4, vm0, $0xb8;
	[tilespmem:$0x19000] =	vst v63  }
0xb9: {  	s22 =	rddreg [dreg:$0x12]  }
0xba: {  	[tilespmem:s22], [sflag:$0x4] =	stream.indirect_vreg.gather [hbm4b:s6+s2], $0x80, v4, vm0, $0xb8;
	[tilespmem:$0x19000] =	vst v63  }
0xbb: {  	s21 =	rddreg [dreg:$0x13]  }
0xbc: {  	[tilespmem:s21], [sflag:$0x4] =	stream.indirect_vreg.gather [hbm4b:s3+s2], $0x80, v3, vm0, $0xb8;
	[tilespmem:$0x19000] =	vst v63  }
0xbd: {  	s22 =	rddreg [dreg:$0x14]  }
0xbe: {  	[tilespmem:s22], [sflag:$0x4] =	stream.indirect_vreg.gather [hbm4b:s6+s2], $0x80, v3, vm0, $0xb8;
	[tilespmem:$0x19000] =	vst v63  }
0xbf: {  	_ =	swait.ge [sflag:s30], $0x4000  }
0xc0: {  	[sflag:s30] =	ssyncset.done $0x0  }
0xc1: {  	s20 =	sadd.s32 $0x800, s20;
	[sflag:s30] =	ssyncadd.s32 $0xFFFFC000  }
0xc2: {  	[hbm4b:s20+s2] =	stream.linear.scatter [tilespmem:s18], [sflag:$0x7], $0x4000, $0x38;
	[tilespmem:$0x19000] =	vst v63  }
0xc3: {  	s20 =	simm.s32 @!p0 $0xA  }
0xc4: {  	_ =	swait.ge @!p0 [sflag:s20], $0x4000  }
0xc5: {  	[sflag:s20] =	ssyncset.done @!p0 $0x0  }
0xc6: {  	[sflag:s20] =	ssyncadd.s32 @!p0 $0xFFFFC000  }
0xc7: {  	v3 =	vld [tilespmem:s19+$0x10];
	_ =	sdelay $0x4  }
0xc8: {  	v62 =	vshll.u32 v3, $0x2  }
0xc9: {  	v3 =	vand.u32 $0x7, v3;
	v4 =	vand.u32 $0xFFFFFFE0, v62  }
0xca: {  	v3 =	vor.u32 v3, v4  }
0xcb: {  	v4 =	vperm.xlane v3, v0;
	_ =	sdelay $0x1  }
0xcc: {  	v4 =	vadd.s32 v1, v4;
	_ =	sdelay $0x1  }
0xcd: {  	v3 =	vperm.xlane v3, v2;
	_ =	sdelay $0x1  }
0xce: {  	v3 =	vadd.s32 v1, v3  }
0xcf: {  	[tilespmem:s31], [sflag:$0x5] =	stream.indirect_vreg.gather [hbm4b:s3+s2], $0x80, v4, vm0, $0xb8;
	[tilespmem:$0x19000] =	vst v63  }
0xd0: {  	s22 =	rddreg [dreg:$0x15]  }
0xd1: {  	[tilespmem:s22], [sflag:$0x5] =	stream.indirect_vreg.gather [hbm4b:s6+s2], $0x80, v4, vm0, $0xb8;
	[tilespmem:$0x19000] =	vst v63  }
0xd2: {  	s21 =	rddreg [dreg:$0x16]  }
0xd3: {  	[tilespmem:s21], [sflag:$0x5] =	stream.indirect_vreg.gather [hbm4b:s3+s2], $0x80, v3, vm0, $0xb8;
	[tilespmem:$0x19000] =	vst v63  }
0xd4: {  	s22 =	rddreg [dreg:$0x17]  }
0xd5: {  	[tilespmem:s22], [sflag:$0x5] =	stream.indirect_vreg.gather [hbm4b:s6+s2], $0x80, v3, vm0, $0xb8;
	[tilespmem:$0x19000] =	vst v63  }
0xd6: {  	v3 =	vld [tilespmem:s19+$0x20];
	_ =	sdelay $0x4  }
0xd7: {  	v63 =	vshll.u32 v3, $0x2  }
0xd8: {  	v3 =	vand.u32 $0x7, v3;
	v4 =	vand.u32 $0xFFFFFFE0, v63  }
0xd9: {  	v3 =	vor.u32 v3, v4  }
0xda: {  	v4 =	vperm.xlane v3, v0;
	_ =	sdelay $0x1  }
0xdb: {  	v4 =	vadd.s32 v1, v4;
	_ =	sdelay $0x1  }
0xdc: {  	v3 =	vperm.xlane v3, v2;
	_ =	sdelay $0x1  }
0xdd: {  	s21 =	rddreg [dreg:$0x18];
	v3 =	vadd.s32 v1, v3  }
0xde: {  	[tilespmem:s21], [sflag:$0x5] =	stream.indirect_vreg.gather [hbm4b:s3+s2], $0x80, v4, vm0, $0xb8;
	[tilespmem:$0x19000] =	vst v63  }
0xdf: {  	s22 =	rddreg [dreg:$0x19]  }
0xe0: {  	[tilespmem:s22], [sflag:$0x5] =	stream.indirect_vreg.gather [hbm4b:s6+s2], $0x80, v4, vm0, $0xb8;
	[tilespmem:$0x19000] =	vst v63  }
0xe1: {  	s20 =	rddreg [dreg:$0x1a]  }
0xe2: {  	[tilespmem:s20], [sflag:$0x5] =	stream.indirect_vreg.gather [hbm4b:s3+s2], $0x80, v3, vm0, $0xb8;
	[tilespmem:$0x19000] =	vst v63  }
0xe3: {  	s22 =	rddreg [dreg:$0x1b]  }
0xe4: {  	[tilespmem:s22], [sflag:$0x5] =	stream.indirect_vreg.gather [hbm4b:s6+s2], $0x80, v3, vm0, $0xb8;
	[tilespmem:$0x19000] =	vst v63  }
0xe5: {  	_ =	swait.ge [sflag:s1], $0x4000  }
0xe6: {  	s21 =	rddreg [dreg:$0x3];
	[sflag:s1] =	ssyncset.done $0x0  }
0xe7: {  	[sflag:s1] =	ssyncadd.s32 $0xFFFFC000;
	s20 =	sadd.s32 s17, s21  }
0xe8: {  	[hbm4b:s20+s2] =	stream.linear.scatter [tilespmem:s26], [sflag:$0x8], $0x4000, $0x38;
	[tilespmem:$0x19000] =	vst v63  }
0xe9: {  	_ =	swait.ge [sflag:s0], $0x4000  }
0xea: {  	[sflag:s0] =	ssyncset.done $0x0  }
0xeb: {  	p0 =	seq.s32 s17, $0x9D800;
	[sflag:s0] =	ssyncadd.s32 $0xFFFFC000  }
0xec: {  	v3 =	vld @!p0 [tilespmem:s19+$0x30];
	_ =	sdelay $0x4  }
0xed: {  	v4 =	vshll.u32 @!p0 v3, $0x2  }
0xee: {  	v5 =	vlaneseq.u32 @!p0;
	v3 =	vand.u32 @!p0 $0x7, v3;
	v4 =	vand.u32 @!p0 $0xFFFFFFE0, v4  }
0xef: {  	v6 =	vshrl.u32 @!p0 v5, $0x3;
	v3 =	vor.u32 @!p0 v3, v4;
	v4 =	vand.u32 @!p0 $0x7, v5  }
0xf0: {  	v6 =	vmul.u32 @!p0 $0x8, v6;
	v7 =	vperm.xlane @!p0 v3, v4;
	_ =	sdelay $0x1  }
0xf1: {  	v7 =	vadd.s32 @!p0 v6, v7  }
0xf2: {  	v5 =	vor.u32 @!p0 $0x8, v5  }
0xf3: {  	v3 =	vperm.xlane @!p0 v3, v5;
	_ =	sdelay $0x1  }
0xf4: {  	vm1 =	vmmov @!p0 $0xffff;
	s21 =	simm.s32 @!p0 $0x5000;
	s20 =	simm.s32 @!p0 $0x0;
	v3 =	vadd.s32 @!p0 v6, v3  }
0xf5: {  	[tilespmem:s21], [sflag:$0x1] =	stream.indirect_vreg.gather @!p0 [hbm4b:s3+s20], $0x80, v7, vm1, $0xb8;
	[tilespmem:$0x19000] =	vst v63  }
0xf6: {  	s21 =	simm.s32 @!p0 $0x5800  }
0xf7: {  	[tilespmem:s21], [sflag:$0x1] =	stream.indirect_vreg.gather @!p0 [hbm4b:s6+s20], $0x80, v7, vm1, $0xb8;
	[tilespmem:$0x19000] =	vst v63  }
0xf8: {  	s21 =	simm.s32 @!p0 $0x6000  }
0xf9: {  	[tilespmem:s21], [sflag:$0x1] =	stream.indirect_vreg.gather @!p0 [hbm4b:s3+s20], $0x80, v3, vm1, $0xb8;
	[tilespmem:$0x19000] =	vst v63  }
0xfa: {  	s21 =	simm.s32 @!p0 $0x6800  }
0xfb: {  	[tilespmem:s21], [sflag:$0x1] =	stream.indirect_vreg.gather @!p0 [hbm4b:s6+s20], $0x80, v3, vm1, $0xb8;
	[tilespmem:$0x19000] =	vst v63  }
0xfc: {  	v3 =	vld @!p0 [tilespmem:s19+$0x40];
	_ =	sdelay $0x4  }
0xfd: {  	v7 =	vshll.u32 @!p0 v3, $0x2  }
0xfe: {  	v3 =	vand.u32 @!p0 $0x7, v3;
	v7 =	vand.u32 @!p0 $0xFFFFFFE0, v7  }
0xff: {  	v3 =	vor.u32 @!p0 v3, v7  }
0x100: {  	v7 =	vperm.xlane @!p0 v3, v4;
	_ =	sdelay $0x1  }
0x101: {  	v7 =	vadd.s32 @!p0 v6, v7;
	_ =	sdelay $0x1  }
0x102: {  	v3 =	vperm.xlane @!p0 v3, v5;
	_ =	sdelay $0x1  }
0x103: {  	s21 =	simm.s32 @!p0 $0x7000;
	v3 =	vadd.s32 @!p0 v6, v3  }
0x104: {  	[tilespmem:s21], [sflag:$0x1] =	stream.indirect_vreg.gather @!p0 [hbm4b:s3+s20], $0x80, v7, vm1, $0xb8;
	[tilespmem:$0x19000] =	vst v63  }
0x105: {  	s21 =	simm.s32 @!p0 $0x7800  }
0x106: {  	[tilespmem:s21], [sflag:$0x1] =	stream.indirect_vreg.gather @!p0 [hbm4b:s6+s20], $0x80, v7, vm1, $0xb8;
	[tilespmem:$0x19000] =	vst v63  }
0x107: {  	s21 =	simm.s32 @!p0 $0x8000  }
0x108: {  	[tilespmem:s21], [sflag:$0x1] =	stream.indirect_vreg.gather @!p0 [hbm4b:s3+s20], $0x80, v3, vm1, $0xb8;
	[tilespmem:$0x19000] =	vst v63  }
0x109: {  	s21 =	simm.s32 @!p0 $0x8800  }
0x10a: {  	[tilespmem:s21], [sflag:$0x1] =	stream.indirect_vreg.gather @!p0 [hbm4b:s6+s20], $0x80, v3, vm1, $0xb8;
	[tilespmem:$0x19000] =	vst v63  }
0x10b: {  	_ =	swait.ge [sflag:s9], $0x4000  }
0x10c: {  	s22 =	rddreg [dreg:$0x6];
	[sflag:s9] =	ssyncset.done $0x0  }
0x10d: {  	[sflag:s9] =	ssyncadd.s32 $0xFFFFC000;
	s21 =	sadd.s32 s17, s22  }
0x10e: {  	[hbm4b:s21+s2] =	stream.linear.scatter [tilespmem:s29], [sflag:$0x9], $0x4000, $0x38;
	[tilespmem:$0x19000] =	vst v63  }
0x10f: {  	_ =	swait.ge [sflag:s11], $0x4000  }
0x110: {  	[sflag:s11] =	ssyncset.done $0x0  }
0x111: {  	[sflag:s11] =	ssyncadd.s32 $0xFFFFC000  }
0x112: {  	v3 =	vld @!p0 [tilespmem:s19+$0x50];
	_ =	sdelay $0x4  }
0x113: {  	v7 =	vshll.u32 @!p0 v3, $0x2  }
0x114: {  	v3 =	vand.u32 @!p0 $0x7, v3;
	v7 =	vand.u32 @!p0 $0xFFFFFFE0, v7  }
0x115: {  	v3 =	vor.u32 @!p0 v3, v7  }
0x116: {  	v7 =	vperm.xlane @!p0 v3, v4;
	_ =	sdelay $0x1  }
0x117: {  	v7 =	vadd.s32 @!p0 v6, v7;
	_ =	sdelay $0x1  }
0x118: {  	v3 =	vperm.xlane @!p0 v3, v5;
	_ =	sdelay $0x1  }
0x119: {  	s21 =	simm.s32 @!p0 $0x9000;
	v3 =	vadd.s32 @!p0 v6, v3  }
0x11a: {  	[tilespmem:s21], [sflag:$0x2] =	stream.indirect_vreg.gather @!p0 [hbm4b:s3+s20], $0x80, v7, vm1, $0xb8;
	[tilespmem:$0x19000] =	vst v63  }
0x11b: {  	s21 =	simm.s32 @!p0 $0x9800  }
0x11c: {  	[tilespmem:s21], [sflag:$0x2] =	stream.indirect_vreg.gather @!p0 [hbm4b:s6+s20], $0x80, v7, vm1, $0xb8;
	[tilespmem:$0x19000] =	vst v63  }
0x11d: {  	s21 =	simm.s32 @!p0 $0xA000  }
0x11e: {  	[tilespmem:s21], [sflag:$0x2] =	stream.indirect_vreg.gather @!p0 [hbm4b:s3+s20], $0x80, v3, vm1, $0xb8;
	[tilespmem:$0x19000] =	vst v63  }
0x11f: {  	s21 =	simm.s32 @!p0 $0xA800  }
0x120: {  	[tilespmem:s21], [sflag:$0x2] =	stream.indirect_vreg.gather @!p0 [hbm4b:s6+s20], $0x80, v3, vm1, $0xb8;
	[tilespmem:$0x19000] =	vst v63  }
0x121: {  	v3 =	vld @!p0 [tilespmem:s19+$0x60];
	_ =	sdelay $0x4  }
0x122: {  	v7 =	vshll.u32 @!p0 v3, $0x2  }
0x123: {  	v3 =	vand.u32 @!p0 $0x7, v3;
	v7 =	vand.u32 @!p0 $0xFFFFFFE0, v7  }
0x124: {  	v3 =	vor.u32 @!p0 v3, v7  }
0x125: {  	v4 =	vperm.xlane @!p0 v3, v4;
	_ =	sdelay $0x1  }
0x126: {  	v4 =	vadd.s32 @!p0 v6, v4;
	_ =	sdelay $0x1  }
0x127: {  	v3 =	vperm.xlane @!p0 v3, v5;
	_ =	sdelay $0x1  }
0x128: {  	s21 =	simm.s32 @!p0 $0xB000;
	v3 =	vadd.s32 @!p0 v6, v3  }
0x129: {  	[tilespmem:s21], [sflag:$0x2] =	stream.indirect_vreg.gather @!p0 [hbm4b:s3+s20], $0x80, v4, vm1, $0xb8;
	[tilespmem:$0x19000] =	vst v63  }
0x12a: {  	s21 =	simm.s32 @!p0 $0xB800  }
0x12b: {  	[tilespmem:s21], [sflag:$0x2] =	stream.indirect_vreg.gather @!p0 [hbm4b:s6+s20], $0x80, v4, vm1, $0xb8;
	[tilespmem:$0x19000] =	vst v63  }
0x12c: {  	s21 =	simm.s32 @!p0 $0xC000  }
0x12d: {  	[tilespmem:s21], [sflag:$0x2] =	stream.indirect_vreg.gather @!p0 [hbm4b:s3+s20], $0x80, v3, vm1, $0xb8;
	[tilespmem:$0x19000] =	vst v63  }
0x12e: {  	s21 =	simm.s32 @!p0 $0xC800  }
0x12f: {  	[tilespmem:s21], [sflag:$0x2] =	stream.indirect_vreg.gather @!p0 [hbm4b:s6+s20], $0x80, v3, vm1, $0xb8;
	[tilespmem:$0x19000] =	vst v63  }
0x130: {  	_ =	swait.ge [sflag:s12], $0x4000  }
0x131: {  	s22 =	rddreg [dreg:$0x5]  }
0x132: {  	s20 =	sadd.s32 s17, s22;
	s17 =	sadd.s32 $0x2800, s17  }
0x133: {  	p0 =	sne.s32 s17, $0xA0000  }
.Ltmp1:
0x134: {  	_ = 	snop;
	(pc) =	sbr.rel @p0 .LBB2_4-.Ltmp1, $4  }
0x135: {  	_ = 	snop  }
0x136: {  	[sflag:s12] =	ssyncset.done $0x0  }
0x137: {  	s19 =	sadd.s32 $0xA0, s19;
	[sflag:s12] =	ssyncadd.s32 $0xFFFFC000  }
0x138: {  	[hbm4b:s20+s2] =	stream.linear.scatter [tilespmem:s31], [sflag:$0xA], $0x4000, $0x38;
	[tilespmem:$0x19000] =	vst v63  }
0x139: {  	_ =	swait.ge [sflag:s13], $0x4000  }
0x13a: {  	[sflag:s13] =	ssyncset.done $0x0  }
0x13b: {  	s16 =	sadd.s32 $0x1, s16;
	[sflag:s13] =	ssyncadd.s32 $0xFFFFC000  }
0x13c: {  	p0 =	sne.s32 s16, s7;
	_ =	swait.ge [sflag:s14], $0x4000  }
.Ltmp2:
0x13d: {  	[sflag:s14] =	ssyncset.done $0x0;
	(pc) =	sbr.rel @p0 .LBB2_1-.Ltmp2, $4  }
0x13e: {  	[sflag:s14] =	ssyncadd.s32 $0xFFFFC000  }
0x13f: {  	_ =	swait.ge [sflag:s15], $0x4000  }
0x140: {  	[sflag:s15] =	ssyncset.done $0x0  }
0x141: {  	[sflag:s15] =	ssyncadd.s32 $0xFFFFC000  }
0x142: {  	_ =	sfence.sel $0x180000  }
0x143: {  	[bflag:$0x0] =	sbarrier.arrive $0xFFFF  }
0x144: {  	_ =	strace $0x90000047  }
0x145: {  	s0 =	stileid.u32;
	[bflag:$0x2] =	sbarrier.arrive $0xFFFF  }
0x146: {  	p0 =	sne.s32 s0, $0x0;
	s0 =	rddreg [dreg:$0x2]  }
0x147: {  	s0 =	sadd.s32 @!p0 $0x100000, s0  }
0x148: {  	[sflag:s0] =	ssyncadd.tile.s32 @!p0 $0x1;
	_ =	shalt  }
.Lfunc_end2:
_tile_overlayer_lowered:
.L_overlay_start_2:
0x149: {  	(tag) =	ssettag $0x2  }
0x14a: {  	s0 =	rddreg [dreg:$0x0];
	s2 =	stileid.u32  }
0x14b: {  	s1 =	rddreg [dreg:$0x1];
	p0 =	sne.s32 s2, $0x0  }
0x14c: {  	s3 =	rddreg [dreg:$0x2];
	[bflag:$0x3] =	sbarrier.arrive $0xFFFF;
	s2 =	simm.s32 @!p0 $0x1C0B  }
0x14d: {  	[timem:s3], [sflag:s2] =	dma.local @!p0 [hbm:s0], s1  }
0x14e: {  	s0 =	simm.s32 @!p0 $0xB  }
0x14f: {  	_ =	swait.ge @!p0 [sflag:s0], s1  }
0x150: {  	s1 =	ssub.s32 @!p0 $0x0, s1;
	[sflag:s0] =	ssyncset.done @!p0 $0x0  }
0x151: {  	[sflag:s0] =	ssyncadd.s32 @!p0 s1  }
0x152: {  	[bflag:$0x3] =	sbarrier.arrive $0xFFFF  }
0x153: {  	_ =	shalt  }

</sc_bundles>
